<compile_context>
chip_gen: v7x
topology: tpu7x:2x2x1
jax: 0.10.2.dev20260603
libtpu: 0.0.44.dev20260713+nightly
codegen_flags: <defaults>
</compile_context>

<pallas_src>
import functools

import jax
import jax.numpy as jnp
from jax import lax
from jax.experimental import pallas as pl
from jax.experimental.pallas import tpu as pltpu
from jax.experimental.pallas import tpu_sc as plsc

EMBED_DIM = 32
NUM_CORES = 2
NUM_SUBCORES = 16
NUM_WORKERS = NUM_CORES * NUM_SUBCORES
NBUF = 8


def _make_gather(batch: int, hist: int):
  rows_per_w = batch // NUM_WORKERS
  n_groups = rows_per_w // NBUF
  mesh = plsc.VectorSubcoreMesh(core_axis_name="c", subcore_axis_name="s")

  @functools.partial(
      pl.kernel,
      mesh=mesh,
      compiler_params=pltpu.CompilerParams(use_tc_tiling_on_sc=False),
      out_type=jax.ShapeDtypeStruct((batch, hist, EMBED_DIM), jnp.float32),
      scratch_types=(
          [pltpu.VMEM((rows_per_w, hist), jnp.int32)]
          + [pltpu.VMEM((hist, EMBED_DIM), jnp.float32) for _ in range(NBUF)]
          + [pltpu.SemaphoreType.DMA for _ in range(2 * NBUF)]
      ),
  )
  def k(table_hbm, idx_hbm, out_hbm, idx_v, *bufs_and_sems):
    bufs = bufs_and_sems[:NBUF]
    gsem = bufs_and_sems[NBUF:2 * NBUF]
    ssem = bufs_and_sems[2 * NBUF:]
    wid = lax.axis_index("s") * NUM_CORES + lax.axis_index("c")
    row_base = wid * rows_per_w

    pltpu.sync_copy(idx_hbm.at[pl.ds(row_base, rows_per_w), :], idx_v)

    def start_gather(c, b):
      pltpu.async_copy(table_hbm.at[idx_v.at[c]], bufs[b], gsem[b])

    def wait_gather(b):
      pltpu.make_async_copy(
          table_hbm.at[idx_v.at[0]], bufs[b], gsem[b]).wait()

    def start_store(c, b):
      pltpu.async_copy(bufs[b], out_hbm.at[row_base + c], ssem[b])

    def wait_store(b):
      pltpu.make_async_copy(bufs[b], out_hbm.at[row_base], ssem[b]).wait()

    for b in range(NBUF):
      start_gather(b, b)

    def body(j, carry):
      c0 = j * NBUF
      for b in range(NBUF):
        wait_gather(b)
        start_store(c0 + b, b)
      for b in range(NBUF):
        wait_store(b)
        start_gather(c0 + NBUF + b, b)
      return carry

    lax.fori_loop(0, n_groups - 1, body, 0)

    c0 = (n_groups - 1) * NBUF
    for b in range(NBUF):
      wait_gather(b)
      start_store(c0 + b, b)
    for b in range(NBUF):
      wait_store(b)

  return k


def kernel(indices, table):
  b, h = indices.shape
  gather = _make_gather(b, h)
  return gather(table, indices)

# --- scband reference (transcript-rebuilt; emitter-appended) ---
"""Pipeline reference for scband-nnlm-39986145526138 (READ-ONLY COPY).

The authoritative reference and input builder live on the scoring server;
editing this copy changes nothing except your own understanding.
"""

import jax, jax.numpy as jnp
import numpy as np

NUM_EMBEDDINGS = 1000000
EMBED_DIM = 32
BATCH = 16384
HIST = 50

def setup_inputs(seed: int = 0) -> dict:
    key = jax.random.key(seed)
    k_idx, k_tab = jax.random.split(key)
    indices = jax.random.randint(k_idx, (BATCH, HIST), 0, NUM_EMBEDDINGS, dtype=jnp.int64 if jax.config.jax_enable_x64 else jnp.int32)
    table = jax.random.normal(k_tab, (NUM_EMBEDDINGS, EMBED_DIM), dtype=jnp.float32)
    return {"indices": indices, "table": table}

def reference(indices, table):
    # Faithful nn.Embedding forward: row gather from the embedding table.
    out = jnp.take(table, indices, axis=0)  # [B, L, D]
    return out

if __name__ == "__main__":
    import jax
    _d = setup_inputs()
    print(jax.jit(kernel)(*tuple(_d.values())))

</pallas_src>

<mosaic_0001>
#map = affine_map<(d0, d1) -> (0, 0)>
#map1 = affine_map<(d0, d1) -> (0, 0, 0)>
module attributes {stable_mosaic.version = 14 : i64} {
  func.func @k(%arg0: i32, %arg1: i32, %arg2: memref<1000000x32xf32, #tpu.memory_space<hbm>>, %arg3: memref<16384x50xi32, #tpu.memory_space<hbm>>, %arg4: memref<16384x50x32xf32, #tpu.memory_space<hbm>>, %arg5: memref<512x50xi32, #tpu.memory_space<vmem>>, %arg6: memref<50x32xf32, #tpu.memory_space<vmem>>, %arg7: memref<50x32xf32, #tpu.memory_space<vmem>>, %arg8: memref<50x32xf32, #tpu.memory_space<vmem>>, %arg9: memref<50x32xf32, #tpu.memory_space<vmem>>, %arg10: memref<50x32xf32, #tpu.memory_space<vmem>>, %arg11: memref<50x32xf32, #tpu.memory_space<vmem>>, %arg12: memref<50x32xf32, #tpu.memory_space<vmem>>, %arg13: memref<50x32xf32, #tpu.memory_space<vmem>>, %arg14: memref<!tpu.dma_semaphore, #tpu.memory_space<semaphore_mem>>, %arg15: memref<!tpu.dma_semaphore, #tpu.memory_space<semaphore_mem>>, %arg16: memref<!tpu.dma_semaphore, #tpu.memory_space<semaphore_mem>>, %arg17: memref<!tpu.dma_semaphore, #tpu.memory_space<semaphore_mem>>, %arg18: memref<!tpu.dma_semaphore, #tpu.memory_space<semaphore_mem>>, %arg19: memref<!tpu.dma_semaphore, #tpu.memory_space<semaphore_mem>>, %arg20: memref<!tpu.dma_semaphore, #tpu.memory_space<semaphore_mem>>, %arg21: memref<!tpu.dma_semaphore, #tpu.memory_space<semaphore_mem>>, %arg22: memref<!tpu.dma_semaphore, #tpu.memory_space<semaphore_mem>>, %arg23: memref<!tpu.dma_semaphore, #tpu.memory_space<semaphore_mem>>, %arg24: memref<!tpu.dma_semaphore, #tpu.memory_space<semaphore_mem>>, %arg25: memref<!tpu.dma_semaphore, #tpu.memory_space<semaphore_mem>>, %arg26: memref<!tpu.dma_semaphore, #tpu.memory_space<semaphore_mem>>, %arg27: memref<!tpu.dma_semaphore, #tpu.memory_space<semaphore_mem>>, %arg28: memref<!tpu.dma_semaphore, #tpu.memory_space<semaphore_mem>>, %arg29: memref<!tpu.dma_semaphore, #tpu.memory_space<semaphore_mem>>) attributes {dimension_semantics = [#tpu.dimension_semantics<core_parallel>, #tpu.dimension_semantics<subcore_parallel>], iteration_bounds = array<i64: 2, 16>, scalar_prefetch = 0 : i64, scratch_operands = 25 : i64, tpu.core_type = #tpu.core_type<sc_vector_subcore>, window_params = [{transform_indices = #map}, {transform_indices = #map}, {transform_indices = #map1}]} {
    %mul3A = arith.constant 2 : i32
    %mul3A_0 = arith.muli %arg1, %mul3A : i32
    %add3A = arith.addi %mul3A_0, %arg0 : i32
    %mul3A_1 = arith.constant 512 : i32
    %mul3A_2 = arith.muli %add3A, %mul3A_1 : i32
    "tpu.region"() ({
      %run_scoped3A = tpu.sem_alloc : memref<!tpu.dma_semaphore, #tpu.memory_space<semaphore_mem>>
      %dma_start3A_262 = arith.constant 0 : i32
      %dma_start3A_263 = tpu.memref_slice %arg3[%mul3A_2, %dma_start3A_262] : memref<16384x50xi32, #tpu.memory_space<hbm>> -> memref<512x50xi32, #tpu.memory_space<hbm>>
      %dma_start3A_264 = arith.constant 0 : i32
      %dma_start3A_265 = tpu.memref_slice %arg3[%mul3A_2, %dma_start3A_264] : memref<16384x50xi32, #tpu.memory_space<hbm>> -> memref<512x50xi32, #tpu.memory_space<hbm>>
      tpu.enqueue_dma source(%dma_start3A_265 : memref<512x50xi32, #tpu.memory_space<hbm>>) target(%arg5 : memref<512x50xi32, #tpu.memory_space<vmem>>) target_semaphore(%run_scoped3A : memref<!tpu.dma_semaphore, #tpu.memory_space<semaphore_mem>>)
      %dma_wait3A_266 = arith.constant 0 : i32
      %dma_wait3A_267 = tpu.memref_slice %arg3[%mul3A_2, %dma_wait3A_266] : memref<16384x50xi32, #tpu.memory_space<hbm>> -> memref<512x50xi32, #tpu.memory_space<hbm>>
      %dma_wait3A_268 = arith.constant 0 : i32
      %dma_wait3A_269 = tpu.memref_slice %arg3[%mul3A_2, %dma_wait3A_268] : memref<16384x50xi32, #tpu.memory_space<hbm>> -> memref<512x50xi32, #tpu.memory_space<hbm>>
      tpu.wait_dma2 semaphore(%run_scoped3A : memref<!tpu.dma_semaphore, #tpu.memory_space<semaphore_mem>>) src(%dma_wait3A_269 : memref<512x50xi32, #tpu.memory_space<hbm>>) dst(%arg5 : memref<512x50xi32, #tpu.memory_space<vmem>>)
      tpu.yield
    }) : () -> ()
    %dma_start3A = arith.constant 0 : i32
    %dma_start3A_3 = arith.constant 0 : i32
    %dma_start3A_4 = tpu.memref_slice %arg5[%dma_start3A, %dma_start3A_3] : memref<512x50xi32, #tpu.memory_space<vmem>> -> memref<1x50xi32, #tpu.memory_space<vmem>>
    %dma_start3A_5 = tpu.memref_squeeze %dma_start3A_4 : memref<1x50xi32, #tpu.memory_space<vmem>> -> memref<50xi32, #tpu.memory_space<vmem>>
    %dma_start3A_6 = arith.constant 0 : i32
    %dma_start3A_7 = arith.constant 0 : i32
    %dma_start3A_8 = tpu.memref_slice %arg2[%dma_start3A_6, %dma_start3A_7] : memref<1000000x32xf32, #tpu.memory_space<hbm>> -> memref<1000000x32xf32, #tpu.memory_space<hbm>>
    tpu.enqueue_indirect_dma source(%dma_start3A_8 : memref<1000000x32xf32, #tpu.memory_space<hbm>>) target(%arg6 : memref<50x32xf32, #tpu.memory_space<vmem>>) offsets(%dma_start3A_5 : memref<50xi32, #tpu.memory_space<vmem>>) semaphore(%arg14 : memref<!tpu.dma_semaphore, #tpu.memory_space<semaphore_mem>>)
    %dma_start3A_9 = arith.constant 1 : i32
    %dma_start3A_10 = arith.constant 0 : i32
    %dma_start3A_11 = tpu.memref_slice %arg5[%dma_start3A_9, %dma_start3A_10] : memref<512x50xi32, #tpu.memory_space<vmem>> -> memref<1x50xi32, #tpu.memory_space<vmem>>
    %dma_start3A_12 = tpu.memref_squeeze %dma_start3A_11 : memref<1x50xi32, #tpu.memory_space<vmem>> -> memref<50xi32, #tpu.memory_space<vmem>>
    %dma_start3A_13 = arith.constant 0 : i32
    %dma_start3A_14 = arith.constant 0 : i32
    %dma_start3A_15 = tpu.memref_slice %arg2[%dma_start3A_13, %dma_start3A_14] : memref<1000000x32xf32, #tpu.memory_space<hbm>> -> memref<1000000x32xf32, #tpu.memory_space<hbm>>
    tpu.enqueue_indirect_dma source(%dma_start3A_15 : memref<1000000x32xf32, #tpu.memory_space<hbm>>) target(%arg7 : memref<50x32xf32, #tpu.memory_space<vmem>>) offsets(%dma_start3A_12 : memref<50xi32, #tpu.memory_space<vmem>>) semaphore(%arg15 : memref<!tpu.dma_semaphore, #tpu.memory_space<semaphore_mem>>)
    %dma_start3A_16 = arith.constant 2 : i32
    %dma_start3A_17 = arith.constant 0 : i32
    %dma_start3A_18 = tpu.memref_slice %arg5[%dma_start3A_16, %dma_start3A_17] : memref<512x50xi32, #tpu.memory_space<vmem>> -> memref<1x50xi32, #tpu.memory_space<vmem>>
    %dma_start3A_19 = tpu.memref_squeeze %dma_start3A_18 : memref<1x50xi32, #tpu.memory_space<vmem>> -> memref<50xi32, #tpu.memory_space<vmem>>
    %dma_start3A_20 = arith.constant 0 : i32
    %dma_start3A_21 = arith.constant 0 : i32
    %dma_start3A_22 = tpu.memref_slice %arg2[%dma_start3A_20, %dma_start3A_21] : memref<1000000x32xf32, #tpu.memory_space<hbm>> -> memref<1000000x32xf32, #tpu.memory_space<hbm>>
    tpu.enqueue_indirect_dma source(%dma_start3A_22 : memref<1000000x32xf32, #tpu.memory_space<hbm>>) target(%arg8 : memref<50x32xf32, #tpu.memory_space<vmem>>) offsets(%dma_start3A_19 : memref<50xi32, #tpu.memory_space<vmem>>) semaphore(%arg16 : memref<!tpu.dma_semaphore, #tpu.memory_space<semaphore_mem>>)
    %dma_start3A_23 = arith.constant 3 : i32
    %dma_start3A_24 = arith.constant 0 : i32
    %dma_start3A_25 = tpu.memref_slice %arg5[%dma_start3A_23, %dma_start3A_24] : memref<512x50xi32, #tpu.memory_space<vmem>> -> memref<1x50xi32, #tpu.memory_space<vmem>>
    %dma_start3A_26 = tpu.memref_squeeze %dma_start3A_25 : memref<1x50xi32, #tpu.memory_space<vmem>> -> memref<50xi32, #tpu.memory_space<vmem>>
    %dma_start3A_27 = arith.constant 0 : i32
    %dma_start3A_28 = arith.constant 0 : i32
    %dma_start3A_29 = tpu.memref_slice %arg2[%dma_start3A_27, %dma_start3A_28] : memref<1000000x32xf32, #tpu.memory_space<hbm>> -> memref<1000000x32xf32, #tpu.memory_space<hbm>>
    tpu.enqueue_indirect_dma source(%dma_start3A_29 : memref<1000000x32xf32, #tpu.memory_space<hbm>>) target(%arg9 : memref<50x32xf32, #tpu.memory_space<vmem>>) offsets(%dma_start3A_26 : memref<50xi32, #tpu.memory_space<vmem>>) semaphore(%arg17 : memref<!tpu.dma_semaphore, #tpu.memory_space<semaphore_mem>>)
    %dma_start3A_30 = arith.constant 4 : i32
    %dma_start3A_31 = arith.constant 0 : i32
    %dma_start3A_32 = tpu.memref_slice %arg5[%dma_start3A_30, %dma_start3A_31] : memref<512x50xi32, #tpu.memory_space<vmem>> -> memref<1x50xi32, #tpu.memory_space<vmem>>
    %dma_start3A_33 = tpu.memref_squeeze %dma_start3A_32 : memref<1x50xi32, #tpu.memory_space<vmem>> -> memref<50xi32, #tpu.memory_space<vmem>>
    %dma_start3A_34 = arith.constant 0 : i32
    %dma_start3A_35 = arith.constant 0 : i32
    %dma_start3A_36 = tpu.memref_slice %arg2[%dma_start3A_34, %dma_start3A_35] : memref<1000000x32xf32, #tpu.memory_space<hbm>> -> memref<1000000x32xf32, #tpu.memory_space<hbm>>
    tpu.enqueue_indirect_dma source(%dma_start3A_36 : memref<1000000x32xf32, #tpu.memory_space<hbm>>) target(%arg10 : memref<50x32xf32, #tpu.memory_space<vmem>>) offsets(%dma_start3A_33 : memref<50xi32, #tpu.memory_space<vmem>>) semaphore(%arg18 : memref<!tpu.dma_semaphore, #tpu.memory_space<semaphore_mem>>)
    %dma_start3A_37 = arith.constant 5 : i32
    %dma_start3A_38 = arith.constant 0 : i32
    %dma_start3A_39 = tpu.memref_slice %arg5[%dma_start3A_37, %dma_start3A_38] : memref<512x50xi32, #tpu.memory_space<vmem>> -> memref<1x50xi32, #tpu.memory_space<vmem>>
    %dma_start3A_40 = tpu.memref_squeeze %dma_start3A_39 : memref<1x50xi32, #tpu.memory_space<vmem>> -> memref<50xi32, #tpu.memory_space<vmem>>
    %dma_start3A_41 = arith.constant 0 : i32
    %dma_start3A_42 = arith.constant 0 : i32
    %dma_start3A_43 = tpu.memref_slice %arg2[%dma_start3A_41, %dma_start3A_42] : memref<1000000x32xf32, #tpu.memory_space<hbm>> -> memref<1000000x32xf32, #tpu.memory_space<hbm>>
    tpu.enqueue_indirect_dma source(%dma_start3A_43 : memref<1000000x32xf32, #tpu.memory_space<hbm>>) target(%arg11 : memref<50x32xf32, #tpu.memory_space<vmem>>) offsets(%dma_start3A_40 : memref<50xi32, #tpu.memory_space<vmem>>) semaphore(%arg19 : memref<!tpu.dma_semaphore, #tpu.memory_space<semaphore_mem>>)
    %dma_start3A_44 = arith.constant 6 : i32
    %dma_start3A_45 = arith.constant 0 : i32
    %dma_start3A_46 = tpu.memref_slice %arg5[%dma_start3A_44, %dma_start3A_45] : memref<512x50xi32, #tpu.memory_space<vmem>> -> memref<1x50xi32, #tpu.memory_space<vmem>>
    %dma_start3A_47 = tpu.memref_squeeze %dma_start3A_46 : memref<1x50xi32, #tpu.memory_space<vmem>> -> memref<50xi32, #tpu.memory_space<vmem>>
    %dma_start3A_48 = arith.constant 0 : i32
    %dma_start3A_49 = arith.constant 0 : i32
    %dma_start3A_50 = tpu.memref_slice %arg2[%dma_start3A_48, %dma_start3A_49] : memref<1000000x32xf32, #tpu.memory_space<hbm>> -> memref<1000000x32xf32, #tpu.memory_space<hbm>>
    tpu.enqueue_indirect_dma source(%dma_start3A_50 : memref<1000000x32xf32, #tpu.memory_space<hbm>>) target(%arg12 : memref<50x32xf32, #tpu.memory_space<vmem>>) offsets(%dma_start3A_47 : memref<50xi32, #tpu.memory_space<vmem>>) semaphore(%arg20 : memref<!tpu.dma_semaphore, #tpu.memory_space<semaphore_mem>>)
    %dma_start3A_51 = arith.constant 7 : i32
    %dma_start3A_52 = arith.constant 0 : i32
    %dma_start3A_53 = tpu.memref_slice %arg5[%dma_start3A_51, %dma_start3A_52] : memref<512x50xi32, #tpu.memory_space<vmem>> -> memref<1x50xi32, #tpu.memory_space<vmem>>
    %dma_start3A_54 = tpu.memref_squeeze %dma_start3A_53 : memref<1x50xi32, #tpu.memory_space<vmem>> -> memref<50xi32, #tpu.memory_space<vmem>>
    %dma_start3A_55 = arith.constant 0 : i32
    %dma_start3A_56 = arith.constant 0 : i32
    %dma_start3A_57 = tpu.memref_slice %arg2[%dma_start3A_55, %dma_start3A_56] : memref<1000000x32xf32, #tpu.memory_space<hbm>> -> memref<1000000x32xf32, #tpu.memory_space<hbm>>
    tpu.enqueue_indirect_dma source(%dma_start3A_57 : memref<1000000x32xf32, #tpu.memory_space<hbm>>) target(%arg13 : memref<50x32xf32, #tpu.memory_space<vmem>>) offsets(%dma_start3A_54 : memref<50xi32, #tpu.memory_space<vmem>>) semaphore(%arg21 : memref<!tpu.dma_semaphore, #tpu.memory_space<semaphore_mem>>)
    %scan3A = arith.constant 0 : i32
    %scan3A_58 = arith.constant 0 : i32
    %scan3A_59 = arith.constant 63 : i32
    %scan3A_60 = arith.addi %scan3A_58, %scan3A_59 : i32
    %scan3A_61 = arith.constant 1 : i32
    scf.for %scan3A_262 = %scan3A_58 to %scan3A_60 step %scan3A_61  : i32 {
      %mul3A_263 = arith.constant 8 : i32
      %mul3A_264 = arith.muli %scan3A_262, %mul3A_263 : i32
      %dma_wait3A_265 = arith.constant 0 : i32
      %dma_wait3A_266 = arith.constant 0 : i32
      %dma_wait3A_267 = tpu.memref_slice %arg5[%dma_wait3A_265, %dma_wait3A_266] : memref<512x50xi32, #tpu.memory_space<vmem>> -> memref<1x50xi32, #tpu.memory_space<vmem>>
      %dma_wait3A_268 = tpu.memref_squeeze %dma_wait3A_267 : memref<1x50xi32, #tpu.memory_space<vmem>> -> memref<50xi32, #tpu.memory_space<vmem>>
      %dma_wait3A_269 = arith.constant 0 : i32
      %dma_wait3A_270 = arith.constant 0 : i32
      %dma_wait3A_271 = tpu.memref_slice %arg2[%dma_wait3A_269, %dma_wait3A_270] : memref<1000000x32xf32, #tpu.memory_space<hbm>> -> memref<1000000x32xf32, #tpu.memory_space<hbm>>
      tpu.wait_indirect_dma semaphore(%arg14 : memref<!tpu.dma_semaphore, #tpu.memory_space<semaphore_mem>>) src(%dma_wait3A_271 : memref<1000000x32xf32, #tpu.memory_space<hbm>>) dst(%arg6 : memref<50x32xf32, #tpu.memory_space<vmem>>)
      %add3A_272 = arith.constant 0 : i32
      %add3A_273 = arith.addi %mul3A_264, %add3A_272 : i32
      %add3A_274 = arith.addi %mul3A_2, %add3A_273 : i32
      %dma_start3A_275 = arith.constant 0 : i32
      %dma_start3A_276 = arith.constant 0 : i32
      %dma_start3A_277 = tpu.memref_slice %arg4[%add3A_274, %dma_start3A_275, %dma_start3A_276] : memref<16384x50x32xf32, #tpu.memory_space<hbm>> -> memref<1x50x32xf32, #tpu.memory_space<hbm>>
      %dma_start3A_278 = tpu.memref_squeeze %dma_start3A_277 : memref<1x50x32xf32, #tpu.memory_space<hbm>> -> memref<50x32xf32, #tpu.memory_space<hbm>>
      %dma_start3A_279 = arith.constant 0 : i32
      %dma_start3A_280 = arith.constant 0 : i32
      %dma_start3A_281 = tpu.memref_slice %arg4[%add3A_274, %dma_start3A_279, %dma_start3A_280] : memref<16384x50x32xf32, #tpu.memory_space<hbm>> -> memref<1x50x32xf32, #tpu.memory_space<hbm>>
      %dma_start3A_282 = tpu.memref_squeeze %dma_start3A_281 : memref<1x50x32xf32, #tpu.memory_space<hbm>> -> memref<50x32xf32, #tpu.memory_space<hbm>>
      tpu.enqueue_dma source(%arg6 : memref<50x32xf32, #tpu.memory_space<vmem>>) target(%dma_start3A_282 : memref<50x32xf32, #tpu.memory_space<hbm>>) target_semaphore(%arg22 : memref<!tpu.dma_semaphore, #tpu.memory_space<semaphore_mem>>)
      %dma_wait3A_283 = arith.constant 0 : i32
      %dma_wait3A_284 = arith.constant 0 : i32
      %dma_wait3A_285 = tpu.memref_slice %arg5[%dma_wait3A_283, %dma_wait3A_284] : memref<512x50xi32, #tpu.memory_space<vmem>> -> memref<1x50xi32, #tpu.memory_space<vmem>>
      %dma_wait3A_286 = tpu.memref_squeeze %dma_wait3A_285 : memref<1x50xi32, #tpu.memory_space<vmem>> -> memref<50xi32, #tpu.memory_space<vmem>>
      %dma_wait3A_287 = arith.constant 0 : i32
      %dma_wait3A_288 = arith.constant 0 : i32
      %dma_wait3A_289 = tpu.memref_slice %arg2[%dma_wait3A_287, %dma_wait3A_288] : memref<1000000x32xf32, #tpu.memory_space<hbm>> -> memref<1000000x32xf32, #tpu.memory_space<hbm>>
      tpu.wait_indirect_dma semaphore(%arg15 : memref<!tpu.dma_semaphore, #tpu.memory_space<semaphore_mem>>) src(%dma_wait3A_289 : memref<1000000x32xf32, #tpu.memory_space<hbm>>) dst(%arg7 : memref<50x32xf32, #tpu.memory_space<vmem>>)
      %add3A_290 = arith.constant 1 : i32
      %add3A_291 = arith.addi %mul3A_264, %add3A_290 : i32
      %add3A_292 = arith.addi %mul3A_2, %add3A_291 : i32
      %dma_start3A_293 = arith.constant 0 : i32
      %dma_start3A_294 = arith.constant 0 : i32
      %dma_start3A_295 = tpu.memref_slice %arg4[%add3A_292, %dma_start3A_293, %dma_start3A_294] : memref<16384x50x32xf32, #tpu.memory_space<hbm>> -> memref<1x50x32xf32, #tpu.memory_space<hbm>>
      %dma_start3A_296 = tpu.memref_squeeze %dma_start3A_295 : memref<1x50x32xf32, #tpu.memory_space<hbm>> -> memref<50x32xf32, #tpu.memory_space<hbm>>
      %dma_start3A_297 = arith.constant 0 : i32
      %dma_start3A_298 = arith.constant 0 : i32
      %dma_start3A_299 = tpu.memref_slice %arg4[%add3A_292, %dma_start3A_297, %dma_start3A_298] : memref<16384x50x32xf32, #tpu.memory_space<hbm>> -> memref<1x50x32xf32, #tpu.memory_space<hbm>>
      %dma_start3A_300 = tpu.memref_squeeze %dma_start3A_299 : memref<1x50x32xf32, #tpu.memory_space<hbm>> -> memref<50x32xf32, #tpu.memory_space<hbm>>
      tpu.enqueue_dma source(%arg7 : memref<50x32xf32, #tpu.memory_space<vmem>>) target(%dma_start3A_300 : memref<50x32xf32, #tpu.memory_space<hbm>>) target_semaphore(%arg23 : memref<!tpu.dma_semaphore, #tpu.memory_space<semaphore_mem>>)
      %dma_wait3A_301 = arith.constant 0 : i32
      %dma_wait3A_302 = arith.constant 0 : i32
      %dma_wait3A_303 = tpu.memref_slice %arg5[%dma_wait3A_301, %dma_wait3A_302] : memref<512x50xi32, #tpu.memory_space<vmem>> -> memref<1x50xi32, #tpu.memory_space<vmem>>
      %dma_wait3A_304 = tpu.memref_squeeze %dma_wait3A_303 : memref<1x50xi32, #tpu.memory_space<vmem>> -> memref<50xi32, #tpu.memory_space<vmem>>
      %dma_wait3A_305 = arith.constant 0 : i32
      %dma_wait3A_306 = arith.constant 0 : i32
      %dma_wait3A_307 = tpu.memref_slice %arg2[%dma_wait3A_305, %dma_wait3A_306] : memref<1000000x32xf32, #tpu.memory_space<hbm>> -> memref<1000000x32xf32, #tpu.memory_space<hbm>>
      tpu.wait_indirect_dma semaphore(%arg16 : memref<!tpu.dma_semaphore, #tpu.memory_space<semaphore_mem>>) src(%dma_wait3A_307 : memref<1000000x32xf32, #tpu.memory_space<hbm>>) dst(%arg8 : memref<50x32xf32, #tpu.memory_space<vmem>>)
      %add3A_308 = arith.constant 2 : i32
      %add3A_309 = arith.addi %mul3A_264, %add3A_308 : i32
      %add3A_310 = arith.addi %mul3A_2, %add3A_309 : i32
      %dma_start3A_311 = arith.constant 0 : i32
      %dma_start3A_312 = arith.constant 0 : i32
      %dma_start3A_313 = tpu.memref_slice %arg4[%add3A_310, %dma_start3A_311, %dma_start3A_312] : memref<16384x50x32xf32, #tpu.memory_space<hbm>> -> memref<1x50x32xf32, #tpu.memory_space<hbm>>
      %dma_start3A_314 = tpu.memref_squeeze %dma_start3A_313 : memref<1x50x32xf32, #tpu.memory_space<hbm>> -> memref<50x32xf32, #tpu.memory_space<hbm>>
      %dma_start3A_315 = arith.constant 0 : i32
      %dma_start3A_316 = arith.constant 0 : i32
      %dma_start3A_317 = tpu.memref_slice %arg4[%add3A_310, %dma_start3A_315, %dma_start3A_316] : memref<16384x50x32xf32, #tpu.memory_space<hbm>> -> memref<1x50x32xf32, #tpu.memory_space<hbm>>
      %dma_start3A_318 = tpu.memref_squeeze %dma_start3A_317 : memref<1x50x32xf32, #tpu.memory_space<hbm>> -> memref<50x32xf32, #tpu.memory_space<hbm>>
      tpu.enqueue_dma source(%arg8 : memref<50x32xf32, #tpu.memory_space<vmem>>) target(%dma_start3A_318 : memref<50x32xf32, #tpu.memory_space<hbm>>) target_semaphore(%arg24 : memref<!tpu.dma_semaphore, #tpu.memory_space<semaphore_mem>>)
      %dma_wait3A_319 = arith.constant 0 : i32
      %dma_wait3A_320 = arith.constant 0 : i32
      %dma_wait3A_321 = tpu.memref_slice %arg5[%dma_wait3A_319, %dma_wait3A_320] : memref<512x50xi32, #tpu.memory_space<vmem>> -> memref<1x50xi32, #tpu.memory_space<vmem>>
      %dma_wait3A_322 = tpu.memref_squeeze %dma_wait3A_321 : memref<1x50xi32, #tpu.memory_space<vmem>> -> memref<50xi32, #tpu.memory_space<vmem>>
      %dma_wait3A_323 = arith.constant 0 : i32
      %dma_wait3A_324 = arith.constant 0 : i32
      %dma_wait3A_325 = tpu.memref_slice %arg2[%dma_wait3A_323, %dma_wait3A_324] : memref<1000000x32xf32, #tpu.memory_space<hbm>> -> memref<1000000x32xf32, #tpu.memory_space<hbm>>
      tpu.wait_indirect_dma semaphore(%arg17 : memref<!tpu.dma_semaphore, #tpu.memory_space<semaphore_mem>>) src(%dma_wait3A_325 : memref<1000000x32xf32, #tpu.memory_space<hbm>>) dst(%arg9 : memref<50x32xf32, #tpu.memory_space<vmem>>)
      %add3A_326 = arith.constant 3 : i32
      %add3A_327 = arith.addi %mul3A_264, %add3A_326 : i32
      %add3A_328 = arith.addi %mul3A_2, %add3A_327 : i32
      %dma_start3A_329 = arith.constant 0 : i32
      %dma_start3A_330 = arith.constant 0 : i32
      %dma_start3A_331 = tpu.memref_slice %arg4[%add3A_328, %dma_start3A_329, %dma_start3A_330] : memref<16384x50x32xf32, #tpu.memory_space<hbm>> -> memref<1x50x32xf32, #tpu.memory_space<hbm>>
      %dma_start3A_332 = tpu.memref_squeeze %dma_start3A_331 : memref<1x50x32xf32, #tpu.memory_space<hbm>> -> memref<50x32xf32, #tpu.memory_space<hbm>>
      %dma_start3A_333 = arith.constant 0 : i32
      %dma_start3A_334 = arith.constant 0 : i32
      %dma_start3A_335 = tpu.memref_slice %arg4[%add3A_328, %dma_start3A_333, %dma_start3A_334] : memref<16384x50x32xf32, #tpu.memory_space<hbm>> -> memref<1x50x32xf32, #tpu.memory_space<hbm>>
      %dma_start3A_336 = tpu.memref_squeeze %dma_start3A_335 : memref<1x50x32xf32, #tpu.memory_space<hbm>> -> memref<50x32xf32, #tpu.memory_space<hbm>>
      tpu.enqueue_dma source(%arg9 : memref<50x32xf32, #tpu.memory_space<vmem>>) target(%dma_start3A_336 : memref<50x32xf32, #tpu.memory_space<hbm>>) target_semaphore(%arg25 : memref<!tpu.dma_semaphore, #tpu.memory_space<semaphore_mem>>)
      %dma_wait3A_337 = arith.constant 0 : i32
      %dma_wait3A_338 = arith.constant 0 : i32
      %dma_wait3A_339 = tpu.memref_slice %arg5[%dma_wait3A_337, %dma_wait3A_338] : memref<512x50xi32, #tpu.memory_space<vmem>> -> memref<1x50xi32, #tpu.memory_space<vmem>>
      %dma_wait3A_340 = tpu.memref_squeeze %dma_wait3A_339 : memref<1x50xi32, #tpu.memory_space<vmem>> -> memref<50xi32, #tpu.memory_space<vmem>>
      %dma_wait3A_341 = arith.constant 0 : i32
      %dma_wait3A_342 = arith.constant 0 : i32
      %dma_wait3A_343 = tpu.memref_slice %arg2[%dma_wait3A_341, %dma_wait3A_342] : memref<1000000x32xf32, #tpu.memory_space<hbm>> -> memref<1000000x32xf32, #tpu.memory_space<hbm>>
      tpu.wait_indirect_dma semaphore(%arg18 : memref<!tpu.dma_semaphore, #tpu.memory_space<semaphore_mem>>) src(%dma_wait3A_343 : memref<1000000x32xf32, #tpu.memory_space<hbm>>) dst(%arg10 : memref<50x32xf32, #tpu.memory_space<vmem>>)
      %add3A_344 = arith.constant 4 : i32
      %add3A_345 = arith.addi %mul3A_264, %add3A_344 : i32
      %add3A_346 = arith.addi %mul3A_2, %add3A_345 : i32
      %dma_start3A_347 = arith.constant 0 : i32
      %dma_start3A_348 = arith.constant 0 : i32
      %dma_start3A_349 = tpu.memref_slice %arg4[%add3A_346, %dma_start3A_347, %dma_start3A_348] : memref<16384x50x32xf32, #tpu.memory_space<hbm>> -> memref<1x50x32xf32, #tpu.memory_space<hbm>>
      %dma_start3A_350 = tpu.memref_squeeze %dma_start3A_349 : memref<1x50x32xf32, #tpu.memory_space<hbm>> -> memref<50x32xf32, #tpu.memory_space<hbm>>
      %dma_start3A_351 = arith.constant 0 : i32
      %dma_start3A_352 = arith.constant 0 : i32
      %dma_start3A_353 = tpu.memref_slice %arg4[%add3A_346, %dma_start3A_351, %dma_start3A_352] : memref<16384x50x32xf32, #tpu.memory_space<hbm>> -> memref<1x50x32xf32, #tpu.memory_space<hbm>>
      %dma_start3A_354 = tpu.memref_squeeze %dma_start3A_353 : memref<1x50x32xf32, #tpu.memory_space<hbm>> -> memref<50x32xf32, #tpu.memory_space<hbm>>
      tpu.enqueue_dma source(%arg10 : memref<50x32xf32, #tpu.memory_space<vmem>>) target(%dma_start3A_354 : memref<50x32xf32, #tpu.memory_space<hbm>>) target_semaphore(%arg26 : memref<!tpu.dma_semaphore, #tpu.memory_space<semaphore_mem>>)
      %dma_wait3A_355 = arith.constant 0 : i32
      %dma_wait3A_356 = arith.constant 0 : i32
      %dma_wait3A_357 = tpu.memref_slice %arg5[%dma_wait3A_355, %dma_wait3A_356] : memref<512x50xi32, #tpu.memory_space<vmem>> -> memref<1x50xi32, #tpu.memory_space<vmem>>
      %dma_wait3A_358 = tpu.memref_squeeze %dma_wait3A_357 : memref<1x50xi32, #tpu.memory_space<vmem>> -> memref<50xi32, #tpu.memory_space<vmem>>
      %dma_wait3A_359 = arith.constant 0 : i32
      %dma_wait3A_360 = arith.constant 0 : i32
      %dma_wait3A_361 = tpu.memref_slice %arg2[%dma_wait3A_359, %dma_wait3A_360] : memref<1000000x32xf32, #tpu.memory_space<hbm>> -> memref<1000000x32xf32, #tpu.memory_space<hbm>>
      tpu.wait_indirect_dma semaphore(%arg19 : memref<!tpu.dma_semaphore, #tpu.memory_space<semaphore_mem>>) src(%dma_wait3A_361 : memref<1000000x32xf32, #tpu.memory_space<hbm>>) dst(%arg11 : memref<50x32xf32, #tpu.memory_space<vmem>>)
      %add3A_362 = arith.constant 5 : i32
      %add3A_363 = arith.addi %mul3A_264, %add3A_362 : i32
      %add3A_364 = arith.addi %mul3A_2, %add3A_363 : i32
      %dma_start3A_365 = arith.constant 0 : i32
      %dma_start3A_366 = arith.constant 0 : i32
      %dma_start3A_367 = tpu.memref_slice %arg4[%add3A_364, %dma_start3A_365, %dma_start3A_366] : memref<16384x50x32xf32, #tpu.memory_space<hbm>> -> memref<1x50x32xf32, #tpu.memory_space<hbm>>
      %dma_start3A_368 = tpu.memref_squeeze %dma_start3A_367 : memref<1x50x32xf32, #tpu.memory_space<hbm>> -> memref<50x32xf32, #tpu.memory_space<hbm>>
      %dma_start3A_369 = arith.constant 0 : i32
      %dma_start3A_370 = arith.constant 0 : i32
      %dma_start3A_371 = tpu.memref_slice %arg4[%add3A_364, %dma_start3A_369, %dma_start3A_370] : memref<16384x50x32xf32, #tpu.memory_space<hbm>> -> memref<1x50x32xf32, #tpu.memory_space<hbm>>
      %dma_start3A_372 = tpu.memref_squeeze %dma_start3A_371 : memref<1x50x32xf32, #tpu.memory_space<hbm>> -> memref<50x32xf32, #tpu.memory_space<hbm>>
      tpu.enqueue_dma source(%arg11 : memref<50x32xf32, #tpu.memory_space<vmem>>) target(%dma_start3A_372 : memref<50x32xf32, #tpu.memory_space<hbm>>) target_semaphore(%arg27 : memref<!tpu.dma_semaphore, #tpu.memory_space<semaphore_mem>>)
      %dma_wait3A_373 = arith.constant 0 : i32
      %dma_wait3A_374 = arith.constant 0 : i32
      %dma_wait3A_375 = tpu.memref_slice %arg5[%dma_wait3A_373, %dma_wait3A_374] : memref<512x50xi32, #tpu.memory_space<vmem>> -> memref<1x50xi32, #tpu.memory_space<vmem>>
      %dma_wait3A_376 = tpu.memref_squeeze %dma_wait3A_375 : memref<1x50xi32, #tpu.memory_space<vmem>> -> memref<50xi32, #tpu.memory_space<vmem>>
      %dma_wait3A_377 = arith.constant 0 : i32
      %dma_wait3A_378 = arith.constant 0 : i32
      %dma_wait3A_379 = tpu.memref_slice %arg2[%dma_wait3A_377, %dma_wait3A_378] : memref<1000000x32xf32, #tpu.memory_space<hbm>> -> memref<1000000x32xf32, #tpu.memory_space<hbm>>
      tpu.wait_indirect_dma semaphore(%arg20 : memref<!tpu.dma_semaphore, #tpu.memory_space<semaphore_mem>>) src(%dma_wait3A_379 : memref<1000000x32xf32, #tpu.memory_space<hbm>>) dst(%arg12 : memref<50x32xf32, #tpu.memory_space<vmem>>)
      %add3A_380 = arith.constant 6 : i32
      %add3A_381 = arith.addi %mul3A_264, %add3A_380 : i32
      %add3A_382 = arith.addi %mul3A_2, %add3A_381 : i32
      %dma_start3A_383 = arith.constant 0 : i32
      %dma_start3A_384 = arith.constant 0 : i32
      %dma_start3A_385 = tpu.memref_slice %arg4[%add3A_382, %dma_start3A_383, %dma_start3A_384] : memref<16384x50x32xf32, #tpu.memory_space<hbm>> -> memref<1x50x32xf32, #tpu.memory_space<hbm>>
      %dma_start3A_386 = tpu.memref_squeeze %dma_start3A_385 : memref<1x50x32xf32, #tpu.memory_space<hbm>> -> memref<50x32xf32, #tpu.memory_space<hbm>>
      %dma_start3A_387 = arith.constant 0 : i32
      %dma_start3A_388 = arith.constant 0 : i32
      %dma_start3A_389 = tpu.memref_slice %arg4[%add3A_382, %dma_start3A_387, %dma_start3A_388] : memref<16384x50x32xf32, #tpu.memory_space<hbm>> -> memref<1x50x32xf32, #tpu.memory_space<hbm>>
      %dma_start3A_390 = tpu.memref_squeeze %dma_start3A_389 : memref<1x50x32xf32, #tpu.memory_space<hbm>> -> memref<50x32xf32, #tpu.memory_space<hbm>>
      tpu.enqueue_dma source(%arg12 : memref<50x32xf32, #tpu.memory_space<vmem>>) target(%dma_start3A_390 : memref<50x32xf32, #tpu.memory_space<hbm>>) target_semaphore(%arg28 : memref<!tpu.dma_semaphore, #tpu.memory_space<semaphore_mem>>)
      %dma_wait3A_391 = arith.constant 0 : i32
      %dma_wait3A_392 = arith.constant 0 : i32
      %dma_wait3A_393 = tpu.memref_slice %arg5[%dma_wait3A_391, %dma_wait3A_392] : memref<512x50xi32, #tpu.memory_space<vmem>> -> memref<1x50xi32, #tpu.memory_space<vmem>>
      %dma_wait3A_394 = tpu.memref_squeeze %dma_wait3A_393 : memref<1x50xi32, #tpu.memory_space<vmem>> -> memref<50xi32, #tpu.memory_space<vmem>>
      %dma_wait3A_395 = arith.constant 0 : i32
      %dma_wait3A_396 = arith.constant 0 : i32
      %dma_wait3A_397 = tpu.memref_slice %arg2[%dma_wait3A_395, %dma_wait3A_396] : memref<1000000x32xf32, #tpu.memory_space<hbm>> -> memref<1000000x32xf32, #tpu.memory_space<hbm>>
      tpu.wait_indirect_dma semaphore(%arg21 : memref<!tpu.dma_semaphore, #tpu.memory_space<semaphore_mem>>) src(%dma_wait3A_397 : memref<1000000x32xf32, #tpu.memory_space<hbm>>) dst(%arg13 : memref<50x32xf32, #tpu.memory_space<vmem>>)
      %add3A_398 = arith.constant 7 : i32
      %add3A_399 = arith.addi %mul3A_264, %add3A_398 : i32
      %add3A_400 = arith.addi %mul3A_2, %add3A_399 : i32
      %dma_start3A_401 = arith.constant 0 : i32
      %dma_start3A_402 = arith.constant 0 : i32
      %dma_start3A_403 = tpu.memref_slice %arg4[%add3A_400, %dma_start3A_401, %dma_start3A_402] : memref<16384x50x32xf32, #tpu.memory_space<hbm>> -> memref<1x50x32xf32, #tpu.memory_space<hbm>>
      %dma_start3A_404 = tpu.memref_squeeze %dma_start3A_403 : memref<1x50x32xf32, #tpu.memory_space<hbm>> -> memref<50x32xf32, #tpu.memory_space<hbm>>
      %dma_start3A_405 = arith.constant 0 : i32
      %dma_start3A_406 = arith.constant 0 : i32
      %dma_start3A_407 = tpu.memref_slice %arg4[%add3A_400, %dma_start3A_405, %dma_start3A_406] : memref<16384x50x32xf32, #tpu.memory_space<hbm>> -> memref<1x50x32xf32, #tpu.memory_space<hbm>>
      %dma_start3A_408 = tpu.memref_squeeze %dma_start3A_407 : memref<1x50x32xf32, #tpu.memory_space<hbm>> -> memref<50x32xf32, #tpu.memory_space<hbm>>
      tpu.enqueue_dma source(%arg13 : memref<50x32xf32, #tpu.memory_space<vmem>>) target(%dma_start3A_408 : memref<50x32xf32, #tpu.memory_space<hbm>>) target_semaphore(%arg29 : memref<!tpu.dma_semaphore, #tpu.memory_space<semaphore_mem>>)
      %dma_wait3A_409 = arith.constant 0 : i32
      %dma_wait3A_410 = arith.constant 0 : i32
      %dma_wait3A_411 = tpu.memref_slice %arg4[%mul3A_2, %dma_wait3A_409, %dma_wait3A_410] : memref<16384x50x32xf32, #tpu.memory_space<hbm>> -> memref<1x50x32xf32, #tpu.memory_space<hbm>>
      %dma_wait3A_412 = tpu.memref_squeeze %dma_wait3A_411 : memref<1x50x32xf32, #tpu.memory_space<hbm>> -> memref<50x32xf32, #tpu.memory_space<hbm>>
      %dma_wait3A_413 = arith.constant 0 : i32
      %dma_wait3A_414 = arith.constant 0 : i32
      %dma_wait3A_415 = tpu.memref_slice %arg4[%mul3A_2, %dma_wait3A_413, %dma_wait3A_414] : memref<16384x50x32xf32, #tpu.memory_space<hbm>> -> memref<1x50x32xf32, #tpu.memory_space<hbm>>
      %dma_wait3A_416 = tpu.memref_squeeze %dma_wait3A_415 : memref<1x50x32xf32, #tpu.memory_space<hbm>> -> memref<50x32xf32, #tpu.memory_space<hbm>>
      tpu.wait_dma2 semaphore(%arg22 : memref<!tpu.dma_semaphore, #tpu.memory_space<semaphore_mem>>) src(%arg6 : memref<50x32xf32, #tpu.memory_space<vmem>>) dst(%dma_wait3A_416 : memref<50x32xf32, #tpu.memory_space<hbm>>)
      %add3A_417 = arith.constant 8 : i32
      %add3A_418 = arith.addi %mul3A_264, %add3A_417 : i32
      %add3A_419 = arith.constant 0 : i32
      %add3A_420 = arith.addi %add3A_418, %add3A_419 : i32
      %dma_start3A_421 = arith.constant 0 : i32
      %dma_start3A_422 = tpu.memref_slice %arg5[%add3A_420, %dma_start3A_421] : memref<512x50xi32, #tpu.memory_space<vmem>> -> memref<1x50xi32, #tpu.memory_space<vmem>>
      %dma_start3A_423 = tpu.memref_squeeze %dma_start3A_422 : memref<1x50xi32, #tpu.memory_space<vmem>> -> memref<50xi32, #tpu.memory_space<vmem>>
      %dma_start3A_424 = arith.constant 0 : i32
      %dma_start3A_425 = arith.constant 0 : i32
      %dma_start3A_426 = tpu.memref_slice %arg2[%dma_start3A_424, %dma_start3A_425] : memref<1000000x32xf32, #tpu.memory_space<hbm>> -> memref<1000000x32xf32, #tpu.memory_space<hbm>>
      tpu.enqueue_indirect_dma source(%dma_start3A_426 : memref<1000000x32xf32, #tpu.memory_space<hbm>>) target(%arg6 : memref<50x32xf32, #tpu.memory_space<vmem>>) offsets(%dma_start3A_423 : memref<50xi32, #tpu.memory_space<vmem>>) semaphore(%arg14 : memref<!tpu.dma_semaphore, #tpu.memory_space<semaphore_mem>>)
      %dma_wait3A_427 = arith.constant 0 : i32
      %dma_wait3A_428 = arith.constant 0 : i32
      %dma_wait3A_429 = tpu.memref_slice %arg4[%mul3A_2, %dma_wait3A_427, %dma_wait3A_428] : memref<16384x50x32xf32, #tpu.memory_space<hbm>> -> memref<1x50x32xf32, #tpu.memory_space<hbm>>
      %dma_wait3A_430 = tpu.memref_squeeze %dma_wait3A_429 : memref<1x50x32xf32, #tpu.memory_space<hbm>> -> memref<50x32xf32, #tpu.memory_space<hbm>>
      %dma_wait3A_431 = arith.constant 0 : i32
      %dma_wait3A_432 = arith.constant 0 : i32
      %dma_wait3A_433 = tpu.memref_slice %arg4[%mul3A_2, %dma_wait3A_431, %dma_wait3A_432] : memref<16384x50x32xf32, #tpu.memory_space<hbm>> -> memref<1x50x32xf32, #tpu.memory_space<hbm>>
      %dma_wait3A_434 = tpu.memref_squeeze %dma_wait3A_433 : memref<1x50x32xf32, #tpu.memory_space<hbm>> -> memref<50x32xf32, #tpu.memory_space<hbm>>
      tpu.wait_dma2 semaphore(%arg23 : memref<!tpu.dma_semaphore, #tpu.memory_space<semaphore_mem>>) src(%arg7 : memref<50x32xf32, #tpu.memory_space<vmem>>) dst(%dma_wait3A_434 : memref<50x32xf32, #tpu.memory_space<hbm>>)
      %add3A_435 = arith.constant 8 : i32
      %add3A_436 = arith.addi %mul3A_264, %add3A_435 : i32
      %add3A_437 = arith.constant 1 : i32
      %add3A_438 = arith.addi %add3A_436, %add3A_437 : i32
      %dma_start3A_439 = arith.constant 0 : i32
      %dma_start3A_440 = tpu.memref_slice %arg5[%add3A_438, %dma_start3A_439] : memref<512x50xi32, #tpu.memory_space<vmem>> -> memref<1x50xi32, #tpu.memory_space<vmem>>
      %dma_start3A_441 = tpu.memref_squeeze %dma_start3A_440 : memref<1x50xi32, #tpu.memory_space<vmem>> -> memref<50xi32, #tpu.memory_space<vmem>>
      %dma_start3A_442 = arith.constant 0 : i32
      %dma_start3A_443 = arith.constant 0 : i32
      %dma_start3A_444 = tpu.memref_slice %arg2[%dma_start3A_442, %dma_start3A_443] : memref<1000000x32xf32, #tpu.memory_space<hbm>> -> memref<1000000x32xf32, #tpu.memory_space<hbm>>
      tpu.enqueue_indirect_dma source(%dma_start3A_444 : memref<1000000x32xf32, #tpu.memory_space<hbm>>) target(%arg7 : memref<50x32xf32, #tpu.memory_space<vmem>>) offsets(%dma_start3A_441 : memref<50xi32, #tpu.memory_space<vmem>>) semaphore(%arg15 : memref<!tpu.dma_semaphore, #tpu.memory_space<semaphore_mem>>)
      %dma_wait3A_445 = arith.constant 0 : i32
      %dma_wait3A_446 = arith.constant 0 : i32
      %dma_wait3A_447 = tpu.memref_slice %arg4[%mul3A_2, %dma_wait3A_445, %dma_wait3A_446] : memref<16384x50x32xf32, #tpu.memory_space<hbm>> -> memref<1x50x32xf32, #tpu.memory_space<hbm>>
      %dma_wait3A_448 = tpu.memref_squeeze %dma_wait3A_447 : memref<1x50x32xf32, #tpu.memory_space<hbm>> -> memref<50x32xf32, #tpu.memory_space<hbm>>
      %dma_wait3A_449 = arith.constant 0 : i32
      %dma_wait3A_450 = arith.constant 0 : i32
      %dma_wait3A_451 = tpu.memref_slice %arg4[%mul3A_2, %dma_wait3A_449, %dma_wait3A_450] : memref<16384x50x32xf32, #tpu.memory_space<hbm>> -> memref<1x50x32xf32, #tpu.memory_space<hbm>>
      %dma_wait3A_452 = tpu.memref_squeeze %dma_wait3A_451 : memref<1x50x32xf32, #tpu.memory_space<hbm>> -> memref<50x32xf32, #tpu.memory_space<hbm>>
      tpu.wait_dma2 semaphore(%arg24 : memref<!tpu.dma_semaphore, #tpu.memory_space<semaphore_mem>>) src(%arg8 : memref<50x32xf32, #tpu.memory_space<vmem>>) dst(%dma_wait3A_452 : memref<50x32xf32, #tpu.memory_space<hbm>>)
      %add3A_453 = arith.constant 8 : i32
      %add3A_454 = arith.addi %mul3A_264, %add3A_453 : i32
      %add3A_455 = arith.constant 2 : i32
      %add3A_456 = arith.addi %add3A_454, %add3A_455 : i32
      %dma_start3A_457 = arith.constant 0 : i32
      %dma_start3A_458 = tpu.memref_slice %arg5[%add3A_456, %dma_start3A_457] : memref<512x50xi32, #tpu.memory_space<vmem>> -> memref<1x50xi32, #tpu.memory_space<vmem>>
      %dma_start3A_459 = tpu.memref_squeeze %dma_start3A_458 : memref<1x50xi32, #tpu.memory_space<vmem>> -> memref<50xi32, #tpu.memory_space<vmem>>
      %dma_start3A_460 = arith.constant 0 : i32
      %dma_start3A_461 = arith.constant 0 : i32
      %dma_start3A_462 = tpu.memref_slice %arg2[%dma_start3A_460, %dma_start3A_461] : memref<1000000x32xf32, #tpu.memory_space<hbm>> -> memref<1000000x32xf32, #tpu.memory_space<hbm>>
      tpu.enqueue_indirect_dma source(%dma_start3A_462 : memref<1000000x32xf32, #tpu.memory_space<hbm>>) target(%arg8 : memref<50x32xf32, #tpu.memory_space<vmem>>) offsets(%dma_start3A_459 : memref<50xi32, #tpu.memory_space<vmem>>) semaphore(%arg16 : memref<!tpu.dma_semaphore, #tpu.memory_space<semaphore_mem>>)
      %dma_wait3A_463 = arith.constant 0 : i32
      %dma_wait3A_464 = arith.constant 0 : i32
      %dma_wait3A_465 = tpu.memref_slice %arg4[%mul3A_2, %dma_wait3A_463, %dma_wait3A_464] : memref<16384x50x32xf32, #tpu.memory_space<hbm>> -> memref<1x50x32xf32, #tpu.memory_space<hbm>>
      %dma_wait3A_466 = tpu.memref_squeeze %dma_wait3A_465 : memref<1x50x32xf32, #tpu.memory_space<hbm>> -> memref<50x32xf32, #tpu.memory_space<hbm>>
      %dma_wait3A_467 = arith.constant 0 : i32
      %dma_wait3A_468 = arith.constant 0 : i32
      %dma_wait3A_469 = tpu.memref_slice %arg4[%mul3A_2, %dma_wait3A_467, %dma_wait3A_468] : memref<16384x50x32xf32, #tpu.memory_space<hbm>> -> memref<1x50x32xf32, #tpu.memory_space<hbm>>
      %dma_wait3A_470 = tpu.memref_squeeze %dma_wait3A_469 : memref<1x50x32xf32, #tpu.memory_space<hbm>> -> memref<50x32xf32, #tpu.memory_space<hbm>>
      tpu.wait_dma2 semaphore(%arg25 : memref<!tpu.dma_semaphore, #tpu.memory_space<semaphore_mem>>) src(%arg9 : memref<50x32xf32, #tpu.memory_space<vmem>>) dst(%dma_wait3A_470 : memref<50x32xf32, #tpu.memory_space<hbm>>)
      %add3A_471 = arith.constant 8 : i32
      %add3A_472 = arith.addi %mul3A_264, %add3A_471 : i32
      %add3A_473 = arith.constant 3 : i32
      %add3A_474 = arith.addi %add3A_472, %add3A_473 : i32
      %dma_start3A_475 = arith.constant 0 : i32
      %dma_start3A_476 = tpu.memref_slice %arg5[%add3A_474, %dma_start3A_475] : memref<512x50xi32, #tpu.memory_space<vmem>> -> memref<1x50xi32, #tpu.memory_space<vmem>>
      %dma_start3A_477 = tpu.memref_squeeze %dma_start3A_476 : memref<1x50xi32, #tpu.memory_space<vmem>> -> memref<50xi32, #tpu.memory_space<vmem>>
      %dma_start3A_478 = arith.constant 0 : i32
      %dma_start3A_479 = arith.constant 0 : i32
      %dma_start3A_480 = tpu.memref_slice %arg2[%dma_start3A_478, %dma_start3A_479] : memref<1000000x32xf32, #tpu.memory_space<hbm>> -> memref<1000000x32xf32, #tpu.memory_space<hbm>>
      tpu.enqueue_indirect_dma source(%dma_start3A_480 : memref<1000000x32xf32, #tpu.memory_space<hbm>>) target(%arg9 : memref<50x32xf32, #tpu.memory_space<vmem>>) offsets(%dma_start3A_477 : memref<50xi32, #tpu.memory_space<vmem>>) semaphore(%arg17 : memref<!tpu.dma_semaphore, #tpu.memory_space<semaphore_mem>>)
      %dma_wait3A_481 = arith.constant 0 : i32
      %dma_wait3A_482 = arith.constant 0 : i32
      %dma_wait3A_483 = tpu.memref_slice %arg4[%mul3A_2, %dma_wait3A_481, %dma_wait3A_482] : memref<16384x50x32xf32, #tpu.memory_space<hbm>> -> memref<1x50x32xf32, #tpu.memory_space<hbm>>
      %dma_wait3A_484 = tpu.memref_squeeze %dma_wait3A_483 : memref<1x50x32xf32, #tpu.memory_space<hbm>> -> memref<50x32xf32, #tpu.memory_space<hbm>>
      %dma_wait3A_485 = arith.constant 0 : i32
      %dma_wait3A_486 = arith.constant 0 : i32
      %dma_wait3A_487 = tpu.memref_slice %arg4[%mul3A_2, %dma_wait3A_485, %dma_wait3A_486] : memref<16384x50x32xf32, #tpu.memory_space<hbm>> -> memref<1x50x32xf32, #tpu.memory_space<hbm>>
      %dma_wait3A_488 = tpu.memref_squeeze %dma_wait3A_487 : memref<1x50x32xf32, #tpu.memory_space<hbm>> -> memref<50x32xf32, #tpu.memory_space<hbm>>
      tpu.wait_dma2 semaphore(%arg26 : memref<!tpu.dma_semaphore, #tpu.memory_space<semaphore_mem>>) src(%arg10 : memref<50x32xf32, #tpu.memory_space<vmem>>) dst(%dma_wait3A_488 : memref<50x32xf32, #tpu.memory_space<hbm>>)
      %add3A_489 = arith.constant 8 : i32
      %add3A_490 = arith.addi %mul3A_264, %add3A_489 : i32
      %add3A_491 = arith.constant 4 : i32
      %add3A_492 = arith.addi %add3A_490, %add3A_491 : i32
      %dma_start3A_493 = arith.constant 0 : i32
      %dma_start3A_494 = tpu.memref_slice %arg5[%add3A_492, %dma_start3A_493] : memref<512x50xi32, #tpu.memory_space<vmem>> -> memref<1x50xi32, #tpu.memory_space<vmem>>
      %dma_start3A_495 = tpu.memref_squeeze %dma_start3A_494 : memref<1x50xi32, #tpu.memory_space<vmem>> -> memref<50xi32, #tpu.memory_space<vmem>>
      %dma_start3A_496 = arith.constant 0 : i32
      %dma_start3A_497 = arith.constant 0 : i32
      %dma_start3A_498 = tpu.memref_slice %arg2[%dma_start3A_496, %dma_start3A_497] : memref<1000000x32xf32, #tpu.memory_space<hbm>> -> memref<1000000x32xf32, #tpu.memory_space<hbm>>
      tpu.enqueue_indirect_dma source(%dma_start3A_498 : memref<1000000x32xf32, #tpu.memory_space<hbm>>) target(%arg10 : memref<50x32xf32, #tpu.memory_space<vmem>>) offsets(%dma_start3A_495 : memref<50xi32, #tpu.memory_space<vmem>>) semaphore(%arg18 : memref<!tpu.dma_semaphore, #tpu.memory_space<semaphore_mem>>)
      %dma_wait3A_499 = arith.constant 0 : i32
      %dma_wait3A_500 = arith.constant 0 : i32
      %dma_wait3A_501 = tpu.memref_slice %arg4[%mul3A_2, %dma_wait3A_499, %dma_wait3A_500] : memref<16384x50x32xf32, #tpu.memory_space<hbm>> -> memref<1x50x32xf32, #tpu.memory_space<hbm>>
      %dma_wait3A_502 = tpu.memref_squeeze %dma_wait3A_501 : memref<1x50x32xf32, #tpu.memory_space<hbm>> -> memref<50x32xf32, #tpu.memory_space<hbm>>
      %dma_wait3A_503 = arith.constant 0 : i32
      %dma_wait3A_504 = arith.constant 0 : i32
      %dma_wait3A_505 = tpu.memref_slice %arg4[%mul3A_2, %dma_wait3A_503, %dma_wait3A_504] : memref<16384x50x32xf32, #tpu.memory_space<hbm>> -> memref<1x50x32xf32, #tpu.memory_space<hbm>>
      %dma_wait3A_506 = tpu.memref_squeeze %dma_wait3A_505 : memref<1x50x32xf32, #tpu.memory_space<hbm>> -> memref<50x32xf32, #tpu.memory_space<hbm>>
      tpu.wait_dma2 semaphore(%arg27 : memref<!tpu.dma_semaphore, #tpu.memory_space<semaphore_mem>>) src(%arg11 : memref<50x32xf32, #tpu.memory_space<vmem>>) dst(%dma_wait3A_506 : memref<50x32xf32, #tpu.memory_space<hbm>>)
      %add3A_507 = arith.constant 8 : i32
      %add3A_508 = arith.addi %mul3A_264, %add3A_507 : i32
      %add3A_509 = arith.constant 5 : i32
      %add3A_510 = arith.addi %add3A_508, %add3A_509 : i32
      %dma_start3A_511 = arith.constant 0 : i32
      %dma_start3A_512 = tpu.memref_slice %arg5[%add3A_510, %dma_start3A_511] : memref<512x50xi32, #tpu.memory_space<vmem>> -> memref<1x50xi32, #tpu.memory_space<vmem>>
      %dma_start3A_513 = tpu.memref_squeeze %dma_start3A_512 : memref<1x50xi32, #tpu.memory_space<vmem>> -> memref<50xi32, #tpu.memory_space<vmem>>
      %dma_start3A_514 = arith.constant 0 : i32
      %dma_start3A_515 = arith.constant 0 : i32
      %dma_start3A_516 = tpu.memref_slice %arg2[%dma_start3A_514, %dma_start3A_515] : memref<1000000x32xf32, #tpu.memory_space<hbm>> -> memref<1000000x32xf32, #tpu.memory_space<hbm>>
      tpu.enqueue_indirect_dma source(%dma_start3A_516 : memref<1000000x32xf32, #tpu.memory_space<hbm>>) target(%arg11 : memref<50x32xf32, #tpu.memory_space<vmem>>) offsets(%dma_start3A_513 : memref<50xi32, #tpu.memory_space<vmem>>) semaphore(%arg19 : memref<!tpu.dma_semaphore, #tpu.memory_space<semaphore_mem>>)
      %dma_wait3A_517 = arith.constant 0 : i32
      %dma_wait3A_518 = arith.constant 0 : i32
      %dma_wait3A_519 = tpu.memref_slice %arg4[%mul3A_2, %dma_wait3A_517, %dma_wait3A_518] : memref<16384x50x32xf32, #tpu.memory_space<hbm>> -> memref<1x50x32xf32, #tpu.memory_space<hbm>>
      %dma_wait3A_520 = tpu.memref_squeeze %dma_wait3A_519 : memref<1x50x32xf32, #tpu.memory_space<hbm>> -> memref<50x32xf32, #tpu.memory_space<hbm>>
      %dma_wait3A_521 = arith.constant 0 : i32
      %dma_wait3A_522 = arith.constant 0 : i32
      %dma_wait3A_523 = tpu.memref_slice %arg4[%mul3A_2, %dma_wait3A_521, %dma_wait3A_522] : memref<16384x50x32xf32, #tpu.memory_space<hbm>> -> memref<1x50x32xf32, #tpu.memory_space<hbm>>
      %dma_wait3A_524 = tpu.memref_squeeze %dma_wait3A_523 : memref<1x50x32xf32, #tpu.memory_space<hbm>> -> memref<50x32xf32, #tpu.memory_space<hbm>>
      tpu.wait_dma2 semaphore(%arg28 : memref<!tpu.dma_semaphore, #tpu.memory_space<semaphore_mem>>) src(%arg12 : memref<50x32xf32, #tpu.memory_space<vmem>>) dst(%dma_wait3A_524 : memref<50x32xf32, #tpu.memory_space<hbm>>)
      %add3A_525 = arith.constant 8 : i32
      %add3A_526 = arith.addi %mul3A_264, %add3A_525 : i32
      %add3A_527 = arith.constant 6 : i32
      %add3A_528 = arith.addi %add3A_526, %add3A_527 : i32
      %dma_start3A_529 = arith.constant 0 : i32
      %dma_start3A_530 = tpu.memref_slice %arg5[%add3A_528, %dma_start3A_529] : memref<512x50xi32, #tpu.memory_space<vmem>> -> memref<1x50xi32, #tpu.memory_space<vmem>>
      %dma_start3A_531 = tpu.memref_squeeze %dma_start3A_530 : memref<1x50xi32, #tpu.memory_space<vmem>> -> memref<50xi32, #tpu.memory_space<vmem>>
      %dma_start3A_532 = arith.constant 0 : i32
      %dma_start3A_533 = arith.constant 0 : i32
      %dma_start3A_534 = tpu.memref_slice %arg2[%dma_start3A_532, %dma_start3A_533] : memref<1000000x32xf32, #tpu.memory_space<hbm>> -> memref<1000000x32xf32, #tpu.memory_space<hbm>>
      tpu.enqueue_indirect_dma source(%dma_start3A_534 : memref<1000000x32xf32, #tpu.memory_space<hbm>>) target(%arg12 : memref<50x32xf32, #tpu.memory_space<vmem>>) offsets(%dma_start3A_531 : memref<50xi32, #tpu.memory_space<vmem>>) semaphore(%arg20 : memref<!tpu.dma_semaphore, #tpu.memory_space<semaphore_mem>>)
      %dma_wait3A_535 = arith.constant 0 : i32
      %dma_wait3A_536 = arith.constant 0 : i32
      %dma_wait3A_537 = tpu.memref_slice %arg4[%mul3A_2, %dma_wait3A_535, %dma_wait3A_536] : memref<16384x50x32xf32, #tpu.memory_space<hbm>> -> memref<1x50x32xf32, #tpu.memory_space<hbm>>
      %dma_wait3A_538 = tpu.memref_squeeze %dma_wait3A_537 : memref<1x50x32xf32, #tpu.memory_space<hbm>> -> memref<50x32xf32, #tpu.memory_space<hbm>>
      %dma_wait3A_539 = arith.constant 0 : i32
      %dma_wait3A_540 = arith.constant 0 : i32
      %dma_wait3A_541 = tpu.memref_slice %arg4[%mul3A_2, %dma_wait3A_539, %dma_wait3A_540] : memref<16384x50x32xf32, #tpu.memory_space<hbm>> -> memref<1x50x32xf32, #tpu.memory_space<hbm>>
      %dma_wait3A_542 = tpu.memref_squeeze %dma_wait3A_541 : memref<1x50x32xf32, #tpu.memory_space<hbm>> -> memref<50x32xf32, #tpu.memory_space<hbm>>
      tpu.wait_dma2 semaphore(%arg29 : memref<!tpu.dma_semaphore, #tpu.memory_space<semaphore_mem>>) src(%arg13 : memref<50x32xf32, #tpu.memory_space<vmem>>) dst(%dma_wait3A_542 : memref<50x32xf32, #tpu.memory_space<hbm>>)
      %add3A_543 = arith.constant 8 : i32
      %add3A_544 = arith.addi %mul3A_264, %add3A_543 : i32
      %add3A_545 = arith.constant 7 : i32
      %add3A_546 = arith.addi %add3A_544, %add3A_545 : i32
      %dma_start3A_547 = arith.constant 0 : i32
      %dma_start3A_548 = tpu.memref_slice %arg5[%add3A_546, %dma_start3A_547] : memref<512x50xi32, #tpu.memory_space<vmem>> -> memref<1x50xi32, #tpu.memory_space<vmem>>
      %dma_start3A_549 = tpu.memref_squeeze %dma_start3A_548 : memref<1x50xi32, #tpu.memory_space<vmem>> -> memref<50xi32, #tpu.memory_space<vmem>>
      %dma_start3A_550 = arith.constant 0 : i32
      %dma_start3A_551 = arith.constant 0 : i32
      %dma_start3A_552 = tpu.memref_slice %arg2[%dma_start3A_550, %dma_start3A_551] : memref<1000000x32xf32, #tpu.memory_space<hbm>> -> memref<1000000x32xf32, #tpu.memory_space<hbm>>
      tpu.enqueue_indirect_dma source(%dma_start3A_552 : memref<1000000x32xf32, #tpu.memory_space<hbm>>) target(%arg13 : memref<50x32xf32, #tpu.memory_space<vmem>>) offsets(%dma_start3A_549 : memref<50xi32, #tpu.memory_space<vmem>>) semaphore(%arg21 : memref<!tpu.dma_semaphore, #tpu.memory_space<semaphore_mem>>)
    }
    %scan3A_62 = arith.constant 63 : i32
    %dma_wait3A = arith.constant 0 : i32
    %dma_wait3A_63 = arith.constant 0 : i32
    %dma_wait3A_64 = tpu.memref_slice %arg5[%dma_wait3A, %dma_wait3A_63] : memref<512x50xi32, #tpu.memory_space<vmem>> -> memref<1x50xi32, #tpu.memory_space<vmem>>
    %dma_wait3A_65 = tpu.memref_squeeze %dma_wait3A_64 : memref<1x50xi32, #tpu.memory_space<vmem>> -> memref<50xi32, #tpu.memory_space<vmem>>
    %dma_wait3A_66 = arith.constant 0 : i32
    %dma_wait3A_67 = arith.constant 0 : i32
    %dma_wait3A_68 = tpu.memref_slice %arg2[%dma_wait3A_66, %dma_wait3A_67] : memref<1000000x32xf32, #tpu.memory_space<hbm>> -> memref<1000000x32xf32, #tpu.memory_space<hbm>>
    tpu.wait_indirect_dma semaphore(%arg14 : memref<!tpu.dma_semaphore, #tpu.memory_space<semaphore_mem>>) src(%dma_wait3A_68 : memref<1000000x32xf32, #tpu.memory_space<hbm>>) dst(%arg6 : memref<50x32xf32, #tpu.memory_space<vmem>>)
    %add3A_69 = arith.constant 504 : i32
    %add3A_70 = arith.addi %mul3A_2, %add3A_69 : i32
    %dma_start3A_71 = arith.constant 0 : i32
    %dma_start3A_72 = arith.constant 0 : i32
    %dma_start3A_73 = tpu.memref_slice %arg4[%add3A_70, %dma_start3A_71, %dma_start3A_72] : memref<16384x50x32xf32, #tpu.memory_space<hbm>> -> memref<1x50x32xf32, #tpu.memory_space<hbm>>
    %dma_start3A_74 = tpu.memref_squeeze %dma_start3A_73 : memref<1x50x32xf32, #tpu.memory_space<hbm>> -> memref<50x32xf32, #tpu.memory_space<hbm>>
    %dma_start3A_75 = arith.constant 0 : i32
    %dma_start3A_76 = arith.constant 0 : i32
    %dma_start3A_77 = tpu.memref_slice %arg4[%add3A_70, %dma_start3A_75, %dma_start3A_76] : memref<16384x50x32xf32, #tpu.memory_space<hbm>> -> memref<1x50x32xf32, #tpu.memory_space<hbm>>
    %dma_start3A_78 = tpu.memref_squeeze %dma_start3A_77 : memref<1x50x32xf32, #tpu.memory_space<hbm>> -> memref<50x32xf32, #tpu.memory_space<hbm>>
    tpu.enqueue_dma source(%arg6 : memref<50x32xf32, #tpu.memory_space<vmem>>) target(%dma_start3A_78 : memref<50x32xf32, #tpu.memory_space<hbm>>) target_semaphore(%arg22 : memref<!tpu.dma_semaphore, #tpu.memory_space<semaphore_mem>>)
    %dma_wait3A_79 = arith.constant 0 : i32
    %dma_wait3A_80 = arith.constant 0 : i32
    %dma_wait3A_81 = tpu.memref_slice %arg5[%dma_wait3A_79, %dma_wait3A_80] : memref<512x50xi32, #tpu.memory_space<vmem>> -> memref<1x50xi32, #tpu.memory_space<vmem>>
    %dma_wait3A_82 = tpu.memref_squeeze %dma_wait3A_81 : memref<1x50xi32, #tpu.memory_space<vmem>> -> memref<50xi32, #tpu.memory_space<vmem>>
    %dma_wait3A_83 = arith.constant 0 : i32
    %dma_wait3A_84 = arith.constant 0 : i32
    %dma_wait3A_85 = tpu.memref_slice %arg2[%dma_wait3A_83, %dma_wait3A_84] : memref<1000000x32xf32, #tpu.memory_space<hbm>> -> memref<1000000x32xf32, #tpu.memory_space<hbm>>
    tpu.wait_indirect_dma semaphore(%arg15 : memref<!tpu.dma_semaphore, #tpu.memory_space<semaphore_mem>>) src(%dma_wait3A_85 : memref<1000000x32xf32, #tpu.memory_space<hbm>>) dst(%arg7 : memref<50x32xf32, #tpu.memory_space<vmem>>)
    %add3A_86 = arith.constant 505 : i32
    %add3A_87 = arith.addi %mul3A_2, %add3A_86 : i32
    %dma_start3A_88 = arith.constant 0 : i32
    %dma_start3A_89 = arith.constant 0 : i32
    %dma_start3A_90 = tpu.memref_slice %arg4[%add3A_87, %dma_start3A_88, %dma_start3A_89] : memref<16384x50x32xf32, #tpu.memory_space<hbm>> -> memref<1x50x32xf32, #tpu.memory_space<hbm>>
    %dma_start3A_91 = tpu.memref_squeeze %dma_start3A_90 : memref<1x50x32xf32, #tpu.memory_space<hbm>> -> memref<50x32xf32, #tpu.memory_space<hbm>>
    %dma_start3A_92 = arith.constant 0 : i32
    %dma_start3A_93 = arith.constant 0 : i32
    %dma_start3A_94 = tpu.memref_slice %arg4[%add3A_87, %dma_start3A_92, %dma_start3A_93] : memref<16384x50x32xf32, #tpu.memory_space<hbm>> -> memref<1x50x32xf32, #tpu.memory_space<hbm>>
    %dma_start3A_95 = tpu.memref_squeeze %dma_start3A_94 : memref<1x50x32xf32, #tpu.memory_space<hbm>> -> memref<50x32xf32, #tpu.memory_space<hbm>>
    tpu.enqueue_dma source(%arg7 : memref<50x32xf32, #tpu.memory_space<vmem>>) target(%dma_start3A_95 : memref<50x32xf32, #tpu.memory_space<hbm>>) target_semaphore(%arg23 : memref<!tpu.dma_semaphore, #tpu.memory_space<semaphore_mem>>)
    %dma_wait3A_96 = arith.constant 0 : i32
    %dma_wait3A_97 = arith.constant 0 : i32
    %dma_wait3A_98 = tpu.memref_slice %arg5[%dma_wait3A_96, %dma_wait3A_97] : memref<512x50xi32, #tpu.memory_space<vmem>> -> memref<1x50xi32, #tpu.memory_space<vmem>>
    %dma_wait3A_99 = tpu.memref_squeeze %dma_wait3A_98 : memref<1x50xi32, #tpu.memory_space<vmem>> -> memref<50xi32, #tpu.memory_space<vmem>>
    %dma_wait3A_100 = arith.constant 0 : i32
    %dma_wait3A_101 = arith.constant 0 : i32
    %dma_wait3A_102 = tpu.memref_slice %arg2[%dma_wait3A_100, %dma_wait3A_101] : memref<1000000x32xf32, #tpu.memory_space<hbm>> -> memref<1000000x32xf32, #tpu.memory_space<hbm>>
    tpu.wait_indirect_dma semaphore(%arg16 : memref<!tpu.dma_semaphore, #tpu.memory_space<semaphore_mem>>) src(%dma_wait3A_102 : memref<1000000x32xf32, #tpu.memory_space<hbm>>) dst(%arg8 : memref<50x32xf32, #tpu.memory_space<vmem>>)
    %add3A_103 = arith.constant 506 : i32
    %add3A_104 = arith.addi %mul3A_2, %add3A_103 : i32
    %dma_start3A_105 = arith.constant 0 : i32
    %dma_start3A_106 = arith.constant 0 : i32
    %dma_start3A_107 = tpu.memref_slice %arg4[%add3A_104, %dma_start3A_105, %dma_start3A_106] : memref<16384x50x32xf32, #tpu.memory_space<hbm>> -> memref<1x50x32xf32, #tpu.memory_space<hbm>>
    %dma_start3A_108 = tpu.memref_squeeze %dma_start3A_107 : memref<1x50x32xf32, #tpu.memory_space<hbm>> -> memref<50x32xf32, #tpu.memory_space<hbm>>
    %dma_start3A_109 = arith.constant 0 : i32
    %dma_start3A_110 = arith.constant 0 : i32
    %dma_start3A_111 = tpu.memref_slice %arg4[%add3A_104, %dma_start3A_109, %dma_start3A_110] : memref<16384x50x32xf32, #tpu.memory_space<hbm>> -> memref<1x50x32xf32, #tpu.memory_space<hbm>>
    %dma_start3A_112 = tpu.memref_squeeze %dma_start3A_111 : memref<1x50x32xf32, #tpu.memory_space<hbm>> -> memref<50x32xf32, #tpu.memory_space<hbm>>
    tpu.enqueue_dma source(%arg8 : memref<50x32xf32, #tpu.memory_space<vmem>>) target(%dma_start3A_112 : memref<50x32xf32, #tpu.memory_space<hbm>>) target_semaphore(%arg24 : memref<!tpu.dma_semaphore, #tpu.memory_space<semaphore_mem>>)
    %dma_wait3A_113 = arith.constant 0 : i32
    %dma_wait3A_114 = arith.constant 0 : i32
    %dma_wait3A_115 = tpu.memref_slice %arg5[%dma_wait3A_113, %dma_wait3A_114] : memref<512x50xi32, #tpu.memory_space<vmem>> -> memref<1x50xi32, #tpu.memory_space<vmem>>
    %dma_wait3A_116 = tpu.memref_squeeze %dma_wait3A_115 : memref<1x50xi32, #tpu.memory_space<vmem>> -> memref<50xi32, #tpu.memory_space<vmem>>
    %dma_wait3A_117 = arith.constant 0 : i32
    %dma_wait3A_118 = arith.constant 0 : i32
    %dma_wait3A_119 = tpu.memref_slice %arg2[%dma_wait3A_117, %dma_wait3A_118] : memref<1000000x32xf32, #tpu.memory_space<hbm>> -> memref<1000000x32xf32, #tpu.memory_space<hbm>>
    tpu.wait_indirect_dma semaphore(%arg17 : memref<!tpu.dma_semaphore, #tpu.memory_space<semaphore_mem>>) src(%dma_wait3A_119 : memref<1000000x32xf32, #tpu.memory_space<hbm>>) dst(%arg9 : memref<50x32xf32, #tpu.memory_space<vmem>>)
    %add3A_120 = arith.constant 507 : i32
    %add3A_121 = arith.addi %mul3A_2, %add3A_120 : i32
    %dma_start3A_122 = arith.constant 0 : i32
    %dma_start3A_123 = arith.constant 0 : i32
    %dma_start3A_124 = tpu.memref_slice %arg4[%add3A_121, %dma_start3A_122, %dma_start3A_123] : memref<16384x50x32xf32, #tpu.memory_space<hbm>> -> memref<1x50x32xf32, #tpu.memory_space<hbm>>
    %dma_start3A_125 = tpu.memref_squeeze %dma_start3A_124 : memref<1x50x32xf32, #tpu.memory_space<hbm>> -> memref<50x32xf32, #tpu.memory_space<hbm>>
    %dma_start3A_126 = arith.constant 0 : i32
    %dma_start3A_127 = arith.constant 0 : i32
    %dma_start3A_128 = tpu.memref_slice %arg4[%add3A_121, %dma_start3A_126, %dma_start3A_127] : memref<16384x50x32xf32, #tpu.memory_space<hbm>> -> memref<1x50x32xf32, #tpu.memory_space<hbm>>
    %dma_start3A_129 = tpu.memref_squeeze %dma_start3A_128 : memref<1x50x32xf32, #tpu.memory_space<hbm>> -> memref<50x32xf32, #tpu.memory_space<hbm>>
    tpu.enqueue_dma source(%arg9 : memref<50x32xf32, #tpu.memory_space<vmem>>) target(%dma_start3A_129 : memref<50x32xf32, #tpu.memory_space<hbm>>) target_semaphore(%arg25 : memref<!tpu.dma_semaphore, #tpu.memory_space<semaphore_mem>>)
    %dma_wait3A_130 = arith.constant 0 : i32
    %dma_wait3A_131 = arith.constant 0 : i32
    %dma_wait3A_132 = tpu.memref_slice %arg5[%dma_wait3A_130, %dma_wait3A_131] : memref<512x50xi32, #tpu.memory_space<vmem>> -> memref<1x50xi32, #tpu.memory_space<vmem>>
    %dma_wait3A_133 = tpu.memref_squeeze %dma_wait3A_132 : memref<1x50xi32, #tpu.memory_space<vmem>> -> memref<50xi32, #tpu.memory_space<vmem>>
    %dma_wait3A_134 = arith.constant 0 : i32
    %dma_wait3A_135 = arith.constant 0 : i32
    %dma_wait3A_136 = tpu.memref_slice %arg2[%dma_wait3A_134, %dma_wait3A_135] : memref<1000000x32xf32, #tpu.memory_space<hbm>> -> memref<1000000x32xf32, #tpu.memory_space<hbm>>
    tpu.wait_indirect_dma semaphore(%arg18 : memref<!tpu.dma_semaphore, #tpu.memory_space<semaphore_mem>>) src(%dma_wait3A_136 : memref<1000000x32xf32, #tpu.memory_space<hbm>>) dst(%arg10 : memref<50x32xf32, #tpu.memory_space<vmem>>)
    %add3A_137 = arith.constant 508 : i32
    %add3A_138 = arith.addi %mul3A_2, %add3A_137 : i32
    %dma_start3A_139 = arith.constant 0 : i32
    %dma_start3A_140 = arith.constant 0 : i32
    %dma_start3A_141 = tpu.memref_slice %arg4[%add3A_138, %dma_start3A_139, %dma_start3A_140] : memref<16384x50x32xf32, #tpu.memory_space<hbm>> -> memref<1x50x32xf32, #tpu.memory_space<hbm>>
    %dma_start3A_142 = tpu.memref_squeeze %dma_start3A_141 : memref<1x50x32xf32, #tpu.memory_space<hbm>> -> memref<50x32xf32, #tpu.memory_space<hbm>>
    %dma_start3A_143 = arith.constant 0 : i32
    %dma_start3A_144 = arith.constant 0 : i32
    %dma_start3A_145 = tpu.memref_slice %arg4[%add3A_138, %dma_start3A_143, %dma_start3A_144] : memref<16384x50x32xf32, #tpu.memory_space<hbm>> -> memref<1x50x32xf32, #tpu.memory_space<hbm>>
    %dma_start3A_146 = tpu.memref_squeeze %dma_start3A_145 : memref<1x50x32xf32, #tpu.memory_space<hbm>> -> memref<50x32xf32, #tpu.memory_space<hbm>>
    tpu.enqueue_dma source(%arg10 : memref<50x32xf32, #tpu.memory_space<vmem>>) target(%dma_start3A_146 : memref<50x32xf32, #tpu.memory_space<hbm>>) target_semaphore(%arg26 : memref<!tpu.dma_semaphore, #tpu.memory_space<semaphore_mem>>)
    %dma_wait3A_147 = arith.constant 0 : i32
    %dma_wait3A_148 = arith.constant 0 : i32
    %dma_wait3A_149 = tpu.memref_slice %arg5[%dma_wait3A_147, %dma_wait3A_148] : memref<512x50xi32, #tpu.memory_space<vmem>> -> memref<1x50xi32, #tpu.memory_space<vmem>>
    %dma_wait3A_150 = tpu.memref_squeeze %dma_wait3A_149 : memref<1x50xi32, #tpu.memory_space<vmem>> -> memref<50xi32, #tpu.memory_space<vmem>>
    %dma_wait3A_151 = arith.constant 0 : i32
    %dma_wait3A_152 = arith.constant 0 : i32
    %dma_wait3A_153 = tpu.memref_slice %arg2[%dma_wait3A_151, %dma_wait3A_152] : memref<1000000x32xf32, #tpu.memory_space<hbm>> -> memref<1000000x32xf32, #tpu.memory_space<hbm>>
    tpu.wait_indirect_dma semaphore(%arg19 : memref<!tpu.dma_semaphore, #tpu.memory_space<semaphore_mem>>) src(%dma_wait3A_153 : memref<1000000x32xf32, #tpu.memory_space<hbm>>) dst(%arg11 : memref<50x32xf32, #tpu.memory_space<vmem>>)
    %add3A_154 = arith.constant 509 : i32
    %add3A_155 = arith.addi %mul3A_2, %add3A_154 : i32
    %dma_start3A_156 = arith.constant 0 : i32
    %dma_start3A_157 = arith.constant 0 : i32
    %dma_start3A_158 = tpu.memref_slice %arg4[%add3A_155, %dma_start3A_156, %dma_start3A_157] : memref<16384x50x32xf32, #tpu.memory_space<hbm>> -> memref<1x50x32xf32, #tpu.memory_space<hbm>>
    %dma_start3A_159 = tpu.memref_squeeze %dma_start3A_158 : memref<1x50x32xf32, #tpu.memory_space<hbm>> -> memref<50x32xf32, #tpu.memory_space<hbm>>
    %dma_start3A_160 = arith.constant 0 : i32
    %dma_start3A_161 = arith.constant 0 : i32
    %dma_start3A_162 = tpu.memref_slice %arg4[%add3A_155, %dma_start3A_160, %dma_start3A_161] : memref<16384x50x32xf32, #tpu.memory_space<hbm>> -> memref<1x50x32xf32, #tpu.memory_space<hbm>>
    %dma_start3A_163 = tpu.memref_squeeze %dma_start3A_162 : memref<1x50x32xf32, #tpu.memory_space<hbm>> -> memref<50x32xf32, #tpu.memory_space<hbm>>
    tpu.enqueue_dma source(%arg11 : memref<50x32xf32, #tpu.memory_space<vmem>>) target(%dma_start3A_163 : memref<50x32xf32, #tpu.memory_space<hbm>>) target_semaphore(%arg27 : memref<!tpu.dma_semaphore, #tpu.memory_space<semaphore_mem>>)
    %dma_wait3A_164 = arith.constant 0 : i32
    %dma_wait3A_165 = arith.constant 0 : i32
    %dma_wait3A_166 = tpu.memref_slice %arg5[%dma_wait3A_164, %dma_wait3A_165] : memref<512x50xi32, #tpu.memory_space<vmem>> -> memref<1x50xi32, #tpu.memory_space<vmem>>
    %dma_wait3A_167 = tpu.memref_squeeze %dma_wait3A_166 : memref<1x50xi32, #tpu.memory_space<vmem>> -> memref<50xi32, #tpu.memory_space<vmem>>
    %dma_wait3A_168 = arith.constant 0 : i32
    %dma_wait3A_169 = arith.constant 0 : i32
    %dma_wait3A_170 = tpu.memref_slice %arg2[%dma_wait3A_168, %dma_wait3A_169] : memref<1000000x32xf32, #tpu.memory_space<hbm>> -> memref<1000000x32xf32, #tpu.memory_space<hbm>>
    tpu.wait_indirect_dma semaphore(%arg20 : memref<!tpu.dma_semaphore, #tpu.memory_space<semaphore_mem>>) src(%dma_wait3A_170 : memref<1000000x32xf32, #tpu.memory_space<hbm>>) dst(%arg12 : memref<50x32xf32, #tpu.memory_space<vmem>>)
    %add3A_171 = arith.constant 510 : i32
    %add3A_172 = arith.addi %mul3A_2, %add3A_171 : i32
    %dma_start3A_173 = arith.constant 0 : i32
    %dma_start3A_174 = arith.constant 0 : i32
    %dma_start3A_175 = tpu.memref_slice %arg4[%add3A_172, %dma_start3A_173, %dma_start3A_174] : memref<16384x50x32xf32, #tpu.memory_space<hbm>> -> memref<1x50x32xf32, #tpu.memory_space<hbm>>
    %dma_start3A_176 = tpu.memref_squeeze %dma_start3A_175 : memref<1x50x32xf32, #tpu.memory_space<hbm>> -> memref<50x32xf32, #tpu.memory_space<hbm>>
    %dma_start3A_177 = arith.constant 0 : i32
    %dma_start3A_178 = arith.constant 0 : i32
    %dma_start3A_179 = tpu.memref_slice %arg4[%add3A_172, %dma_start3A_177, %dma_start3A_178] : memref<16384x50x32xf32, #tpu.memory_space<hbm>> -> memref<1x50x32xf32, #tpu.memory_space<hbm>>
    %dma_start3A_180 = tpu.memref_squeeze %dma_start3A_179 : memref<1x50x32xf32, #tpu.memory_space<hbm>> -> memref<50x32xf32, #tpu.memory_space<hbm>>
    tpu.enqueue_dma source(%arg12 : memref<50x32xf32, #tpu.memory_space<vmem>>) target(%dma_start3A_180 : memref<50x32xf32, #tpu.memory_space<hbm>>) target_semaphore(%arg28 : memref<!tpu.dma_semaphore, #tpu.memory_space<semaphore_mem>>)
    %dma_wait3A_181 = arith.constant 0 : i32
    %dma_wait3A_182 = arith.constant 0 : i32
    %dma_wait3A_183 = tpu.memref_slice %arg5[%dma_wait3A_181, %dma_wait3A_182] : memref<512x50xi32, #tpu.memory_space<vmem>> -> memref<1x50xi32, #tpu.memory_space<vmem>>
    %dma_wait3A_184 = tpu.memref_squeeze %dma_wait3A_183 : memref<1x50xi32, #tpu.memory_space<vmem>> -> memref<50xi32, #tpu.memory_space<vmem>>
    %dma_wait3A_185 = arith.constant 0 : i32
    %dma_wait3A_186 = arith.constant 0 : i32
    %dma_wait3A_187 = tpu.memref_slice %arg2[%dma_wait3A_185, %dma_wait3A_186] : memref<1000000x32xf32, #tpu.memory_space<hbm>> -> memref<1000000x32xf32, #tpu.memory_space<hbm>>
    tpu.wait_indirect_dma semaphore(%arg21 : memref<!tpu.dma_semaphore, #tpu.memory_space<semaphore_mem>>) src(%dma_wait3A_187 : memref<1000000x32xf32, #tpu.memory_space<hbm>>) dst(%arg13 : memref<50x32xf32, #tpu.memory_space<vmem>>)
    %add3A_188 = arith.constant 511 : i32
    %add3A_189 = arith.addi %mul3A_2, %add3A_188 : i32
    %dma_start3A_190 = arith.constant 0 : i32
    %dma_start3A_191 = arith.constant 0 : i32
    %dma_start3A_192 = tpu.memref_slice %arg4[%add3A_189, %dma_start3A_190, %dma_start3A_191] : memref<16384x50x32xf32, #tpu.memory_space<hbm>> -> memref<1x50x32xf32, #tpu.memory_space<hbm>>
    %dma_start3A_193 = tpu.memref_squeeze %dma_start3A_192 : memref<1x50x32xf32, #tpu.memory_space<hbm>> -> memref<50x32xf32, #tpu.memory_space<hbm>>
    %dma_start3A_194 = arith.constant 0 : i32
    %dma_start3A_195 = arith.constant 0 : i32
    %dma_start3A_196 = tpu.memref_slice %arg4[%add3A_189, %dma_start3A_194, %dma_start3A_195] : memref<16384x50x32xf32, #tpu.memory_space<hbm>> -> memref<1x50x32xf32, #tpu.memory_space<hbm>>
    %dma_start3A_197 = tpu.memref_squeeze %dma_start3A_196 : memref<1x50x32xf32, #tpu.memory_space<hbm>> -> memref<50x32xf32, #tpu.memory_space<hbm>>
    tpu.enqueue_dma source(%arg13 : memref<50x32xf32, #tpu.memory_space<vmem>>) target(%dma_start3A_197 : memref<50x32xf32, #tpu.memory_space<hbm>>) target_semaphore(%arg29 : memref<!tpu.dma_semaphore, #tpu.memory_space<semaphore_mem>>)
    %dma_wait3A_198 = arith.constant 0 : i32
    %dma_wait3A_199 = arith.constant 0 : i32
    %dma_wait3A_200 = tpu.memref_slice %arg4[%mul3A_2, %dma_wait3A_198, %dma_wait3A_199] : memref<16384x50x32xf32, #tpu.memory_space<hbm>> -> memref<1x50x32xf32, #tpu.memory_space<hbm>>
    %dma_wait3A_201 = tpu.memref_squeeze %dma_wait3A_200 : memref<1x50x32xf32, #tpu.memory_space<hbm>> -> memref<50x32xf32, #tpu.memory_space<hbm>>
    %dma_wait3A_202 = arith.constant 0 : i32
    %dma_wait3A_203 = arith.constant 0 : i32
    %dma_wait3A_204 = tpu.memref_slice %arg4[%mul3A_2, %dma_wait3A_202, %dma_wait3A_203] : memref<16384x50x32xf32, #tpu.memory_space<hbm>> -> memref<1x50x32xf32, #tpu.memory_space<hbm>>
    %dma_wait3A_205 = tpu.memref_squeeze %dma_wait3A_204 : memref<1x50x32xf32, #tpu.memory_space<hbm>> -> memref<50x32xf32, #tpu.memory_space<hbm>>
    tpu.wait_dma2 semaphore(%arg22 : memref<!tpu.dma_semaphore, #tpu.memory_space<semaphore_mem>>) src(%arg6 : memref<50x32xf32, #tpu.memory_space<vmem>>) dst(%dma_wait3A_205 : memref<50x32xf32, #tpu.memory_space<hbm>>)
    %dma_wait3A_206 = arith.constant 0 : i32
    %dma_wait3A_207 = arith.constant 0 : i32
    %dma_wait3A_208 = tpu.memref_slice %arg4[%mul3A_2, %dma_wait3A_206, %dma_wait3A_207] : memref<16384x50x32xf32, #tpu.memory_space<hbm>> -> memref<1x50x32xf32, #tpu.memory_space<hbm>>
    %dma_wait3A_209 = tpu.memref_squeeze %dma_wait3A_208 : memref<1x50x32xf32, #tpu.memory_space<hbm>> -> memref<50x32xf32, #tpu.memory_space<hbm>>
    %dma_wait3A_210 = arith.constant 0 : i32
    %dma_wait3A_211 = arith.constant 0 : i32
    %dma_wait3A_212 = tpu.memref_slice %arg4[%mul3A_2, %dma_wait3A_210, %dma_wait3A_211] : memref<16384x50x32xf32, #tpu.memory_space<hbm>> -> memref<1x50x32xf32, #tpu.memory_space<hbm>>
    %dma_wait3A_213 = tpu.memref_squeeze %dma_wait3A_212 : memref<1x50x32xf32, #tpu.memory_space<hbm>> -> memref<50x32xf32, #tpu.memory_space<hbm>>
    tpu.wait_dma2 semaphore(%arg23 : memref<!tpu.dma_semaphore, #tpu.memory_space<semaphore_mem>>) src(%arg7 : memref<50x32xf32, #tpu.memory_space<vmem>>) dst(%dma_wait3A_213 : memref<50x32xf32, #tpu.memory_space<hbm>>)
    %dma_wait3A_214 = arith.constant 0 : i32
    %dma_wait3A_215 = arith.constant 0 : i32
    %dma_wait3A_216 = tpu.memref_slice %arg4[%mul3A_2, %dma_wait3A_214, %dma_wait3A_215] : memref<16384x50x32xf32, #tpu.memory_space<hbm>> -> memref<1x50x32xf32, #tpu.memory_space<hbm>>
    %dma_wait3A_217 = tpu.memref_squeeze %dma_wait3A_216 : memref<1x50x32xf32, #tpu.memory_space<hbm>> -> memref<50x32xf32, #tpu.memory_space<hbm>>
    %dma_wait3A_218 = arith.constant 0 : i32
    %dma_wait3A_219 = arith.constant 0 : i32
    %dma_wait3A_220 = tpu.memref_slice %arg4[%mul3A_2, %dma_wait3A_218, %dma_wait3A_219] : memref<16384x50x32xf32, #tpu.memory_space<hbm>> -> memref<1x50x32xf32, #tpu.memory_space<hbm>>
    %dma_wait3A_221 = tpu.memref_squeeze %dma_wait3A_220 : memref<1x50x32xf32, #tpu.memory_space<hbm>> -> memref<50x32xf32, #tpu.memory_space<hbm>>
    tpu.wait_dma2 semaphore(%arg24 : memref<!tpu.dma_semaphore, #tpu.memory_space<semaphore_mem>>) src(%arg8 : memref<50x32xf32, #tpu.memory_space<vmem>>) dst(%dma_wait3A_221 : memref<50x32xf32, #tpu.memory_space<hbm>>)
    %dma_wait3A_222 = arith.constant 0 : i32
    %dma_wait3A_223 = arith.constant 0 : i32
    %dma_wait3A_224 = tpu.memref_slice %arg4[%mul3A_2, %dma_wait3A_222, %dma_wait3A_223] : memref<16384x50x32xf32, #tpu.memory_space<hbm>> -> memref<1x50x32xf32, #tpu.memory_space<hbm>>
    %dma_wait3A_225 = tpu.memref_squeeze %dma_wait3A_224 : memref<1x50x32xf32, #tpu.memory_space<hbm>> -> memref<50x32xf32, #tpu.memory_space<hbm>>
    %dma_wait3A_226 = arith.constant 0 : i32
    %dma_wait3A_227 = arith.constant 0 : i32
    %dma_wait3A_228 = tpu.memref_slice %arg4[%mul3A_2, %dma_wait3A_226, %dma_wait3A_227] : memref<16384x50x32xf32, #tpu.memory_space<hbm>> -> memref<1x50x32xf32, #tpu.memory_space<hbm>>
    %dma_wait3A_229 = tpu.memref_squeeze %dma_wait3A_228 : memref<1x50x32xf32, #tpu.memory_space<hbm>> -> memref<50x32xf32, #tpu.memory_space<hbm>>
    tpu.wait_dma2 semaphore(%arg25 : memref<!tpu.dma_semaphore, #tpu.memory_space<semaphore_mem>>) src(%arg9 : memref<50x32xf32, #tpu.memory_space<vmem>>) dst(%dma_wait3A_229 : memref<50x32xf32, #tpu.memory_space<hbm>>)
    %dma_wait3A_230 = arith.constant 0 : i32
    %dma_wait3A_231 = arith.constant 0 : i32
    %dma_wait3A_232 = tpu.memref_slice %arg4[%mul3A_2, %dma_wait3A_230, %dma_wait3A_231] : memref<16384x50x32xf32, #tpu.memory_space<hbm>> -> memref<1x50x32xf32, #tpu.memory_space<hbm>>
    %dma_wait3A_233 = tpu.memref_squeeze %dma_wait3A_232 : memref<1x50x32xf32, #tpu.memory_space<hbm>> -> memref<50x32xf32, #tpu.memory_space<hbm>>
    %dma_wait3A_234 = arith.constant 0 : i32
    %dma_wait3A_235 = arith.constant 0 : i32
    %dma_wait3A_236 = tpu.memref_slice %arg4[%mul3A_2, %dma_wait3A_234, %dma_wait3A_235] : memref<16384x50x32xf32, #tpu.memory_space<hbm>> -> memref<1x50x32xf32, #tpu.memory_space<hbm>>
    %dma_wait3A_237 = tpu.memref_squeeze %dma_wait3A_236 : memref<1x50x32xf32, #tpu.memory_space<hbm>> -> memref<50x32xf32, #tpu.memory_space<hbm>>
    tpu.wait_dma2 semaphore(%arg26 : memref<!tpu.dma_semaphore, #tpu.memory_space<semaphore_mem>>) src(%arg10 : memref<50x32xf32, #tpu.memory_space<vmem>>) dst(%dma_wait3A_237 : memref<50x32xf32, #tpu.memory_space<hbm>>)
    %dma_wait3A_238 = arith.constant 0 : i32
    %dma_wait3A_239 = arith.constant 0 : i32
    %dma_wait3A_240 = tpu.memref_slice %arg4[%mul3A_2, %dma_wait3A_238, %dma_wait3A_239] : memref<16384x50x32xf32, #tpu.memory_space<hbm>> -> memref<1x50x32xf32, #tpu.memory_space<hbm>>
    %dma_wait3A_241 = tpu.memref_squeeze %dma_wait3A_240 : memref<1x50x32xf32, #tpu.memory_space<hbm>> -> memref<50x32xf32, #tpu.memory_space<hbm>>
    %dma_wait3A_242 = arith.constant 0 : i32
    %dma_wait3A_243 = arith.constant 0 : i32
    %dma_wait3A_244 = tpu.memref_slice %arg4[%mul3A_2, %dma_wait3A_242, %dma_wait3A_243] : memref<16384x50x32xf32, #tpu.memory_space<hbm>> -> memref<1x50x32xf32, #tpu.memory_space<hbm>>
    %dma_wait3A_245 = tpu.memref_squeeze %dma_wait3A_244 : memref<1x50x32xf32, #tpu.memory_space<hbm>> -> memref<50x32xf32, #tpu.memory_space<hbm>>
    tpu.wait_dma2 semaphore(%arg27 : memref<!tpu.dma_semaphore, #tpu.memory_space<semaphore_mem>>) src(%arg11 : memref<50x32xf32, #tpu.memory_space<vmem>>) dst(%dma_wait3A_245 : memref<50x32xf32, #tpu.memory_space<hbm>>)
    %dma_wait3A_246 = arith.constant 0 : i32
    %dma_wait3A_247 = arith.constant 0 : i32
    %dma_wait3A_248 = tpu.memref_slice %arg4[%mul3A_2, %dma_wait3A_246, %dma_wait3A_247] : memref<16384x50x32xf32, #tpu.memory_space<hbm>> -> memref<1x50x32xf32, #tpu.memory_space<hbm>>
    %dma_wait3A_249 = tpu.memref_squeeze %dma_wait3A_248 : memref<1x50x32xf32, #tpu.memory_space<hbm>> -> memref<50x32xf32, #tpu.memory_space<hbm>>
    %dma_wait3A_250 = arith.constant 0 : i32
    %dma_wait3A_251 = arith.constant 0 : i32
    %dma_wait3A_252 = tpu.memref_slice %arg4[%mul3A_2, %dma_wait3A_250, %dma_wait3A_251] : memref<16384x50x32xf32, #tpu.memory_space<hbm>> -> memref<1x50x32xf32, #tpu.memory_space<hbm>>
    %dma_wait3A_253 = tpu.memref_squeeze %dma_wait3A_252 : memref<1x50x32xf32, #tpu.memory_space<hbm>> -> memref<50x32xf32, #tpu.memory_space<hbm>>
    tpu.wait_dma2 semaphore(%arg28 : memref<!tpu.dma_semaphore, #tpu.memory_space<semaphore_mem>>) src(%arg12 : memref<50x32xf32, #tpu.memory_space<vmem>>) dst(%dma_wait3A_253 : memref<50x32xf32, #tpu.memory_space<hbm>>)
    %dma_wait3A_254 = arith.constant 0 : i32
    %dma_wait3A_255 = arith.constant 0 : i32
    %dma_wait3A_256 = tpu.memref_slice %arg4[%mul3A_2, %dma_wait3A_254, %dma_wait3A_255] : memref<16384x50x32xf32, #tpu.memory_space<hbm>> -> memref<1x50x32xf32, #tpu.memory_space<hbm>>
    %dma_wait3A_257 = tpu.memref_squeeze %dma_wait3A_256 : memref<1x50x32xf32, #tpu.memory_space<hbm>> -> memref<50x32xf32, #tpu.memory_space<hbm>>
    %dma_wait3A_258 = arith.constant 0 : i32
    %dma_wait3A_259 = arith.constant 0 : i32
    %dma_wait3A_260 = tpu.memref_slice %arg4[%mul3A_2, %dma_wait3A_258, %dma_wait3A_259] : memref<16384x50x32xf32, #tpu.memory_space<hbm>> -> memref<1x50x32xf32, #tpu.memory_space<hbm>>
    %dma_wait3A_261 = tpu.memref_squeeze %dma_wait3A_260 : memref<1x50x32xf32, #tpu.memory_space<hbm>> -> memref<50x32xf32, #tpu.memory_space<hbm>>
    tpu.wait_dma2 semaphore(%arg29 : memref<!tpu.dma_semaphore, #tpu.memory_space<semaphore_mem>>) src(%arg13 : memref<50x32xf32, #tpu.memory_space<vmem>>) dst(%dma_wait3A_261 : memref<50x32xf32, #tpu.memory_space<hbm>>)
    return
  }
}

</mosaic_0001>

<sc_bundles>
// kernel: kernel.3.cloned.1.call-start
scs
__scs_entry_jumppad:
0x0: {  	(pc) =	sbr.rel $0x88, $3  }
0x1: {  	(tag) =	ssettag $0x0;
	lr =	simm.s32 $0x1  }
0x2: {  	[smem:$0x3F9F] =	sst lr;
	_ =	strace $0xD0000000  }
0x3: {  	_ = 	snop  }
0x4: {  	_ = 	snop  }
0x5: {  	_ = 	snop  }
0x6: {  	_ = 	snop  }
0x7: {  	_ = 	snop  }
__scs_overlays_trampoline_lowered:
0x8: {  	[smem:$0x3FAE] =	sst s0  }
0x9: {  	[smem:$0x3FAF] =	sst s1  }
0xa: {  	[smem:$0x3FB0] =	sst s2  }
0xb: {  	[smem:$0x3FB1] =	sst s3  }
0xc: {  	[smem:$0x3FB2] =	sst s4  }
0xd: {  	[smem:$0x3FB3] =	sst s5  }
0xe: {  	[smem:$0x3FB4] =	sst s6  }
0xf: {  	[smem:$0x3FB5] =	sst s7  }
0x10: {  	[smem:$0x3FB6] =	sst s8  }
0x11: {  	[smem:$0x3FB7] =	sst s9;
	s0 =	simm.s32 @!p0 $0x0  }
0x12: {  	s1 =	sld [smem:$0x3F9D];
	s0 =	simm.s32 @p0 $0x1  }
0x13: {  	[smem:$0x3FB8] =	sst s0;
	s0 =	simm.s32 @!p1 $0x0  }
0x14: {  	s2 =	sld [smem:$0x3F9C];
	s0 =	simm.s32 @p1 $0x1  }
0x15: {  	[smem:$0x3FB9] =	sst s0;
	s0 =	simm.s32 @!p2 $0x0  }
0x16: {  	s3 =	sld [smem:$0x3FDB];
	s0 =	simm.s32 @p2 $0x1  }
0x17: {  	s4 =	simm.s32 $0x1BF5;
	[smem:$0x3FBB] =	sst s0  }
0x18: {  	s0 =	sld [smem:$0x3F9E];
	_ =	swait.ge [sflag:s4], $0x0  }
0x19: {  	s7 =	sld [smem:$0x3F9F]  }
0x1a: {  	s8 =	sadd.s32 $0xFFFFE003, lr  }
0x1b: {  	s9 =	sadd.s32 $0xFFFFFEF7, lr;
	s5 =	simm.s32 $0xFFFFFFFF;
	p2 =	slt.u32 s8, $0xFFFFF086  }
0x1c: {  	p1 =	slt.u32 s9, $0xF7A;
	s5 =	simm.s32 @!p2 $0x0  }
0x1d: {  	s5 =	simm.s32 @p1 $0x1;
	p0 =	seq.s32 s7, s2  }
0x1e: {  	s7 =	smul.u32 @!p0 $0xF7A, s2;
	p2 =	seq.s32 @!p0 s5, $0x0  }
0x1f: {  	s9 =	smul.u32 $0xF7A, s1;
	s8 =	simm.s32 @!p0 $0x1BF5;
	p2 =	por !p2, p0  }
0x20: {  	[sflag:s8] =	ssyncset.s32 @!p0 $0xFFFFF086;
	s6 =	sadd.s32 @!p0 s3, s7;
	s7 =	simm.s32 @!p0 $0x108  }
0x21: {  	s3 =	sadd.s32 s3, s9;
	s6 =	sadd.s32 @!p0 $0x88, s6;
	s7 =	simm.s32 @p2 $0x1082  }
0x22: {  	[simem:s7], [sflag:s8] =	dma.local @!p0 [hbm:s6], $0xF7A  }
0x23: {  	s9 =	sor.u32 $0xD0000000, s2;
	s6 =	simm.s32 $0x108;
	_ =	swait.ge @!p0 [sflag:s8], $0x0  }
0x24: {  	s3 =	sadd.s32 $0x88, s3;
	s6 =	simm.s32 @!p1 $0x1082;
	[sflag:s4] =	ssyncset.s32 $0xFFFFF086  }
0x25: {  	[simem:s6], [sflag:s4] =	dma.local [hbm:s3], $0xF7A  }
0x26: {  	[smem:$0x3F9F] =	sst s1;
	(tag) =	ssettag s2;
	_ =	strace s9  }
0x27: {  	s1 =	sld [smem:$0x3FAF]  }
0x28: {  	s2 =	sld [smem:$0x3FB0]  }
0x29: {  	s4 =	sld [smem:$0x3FB2]  }
0x2a: {  	p0 =	seq.s32 s5, $0x0;
	s5 =	sld [smem:$0x3FB3]  }
0x2b: {  	s6 =	sld [smem:$0x3FB4]  }
0x2c: {  	s7 =	sld [smem:$0x3FB5]  }
0x2d: {  	s3 =	simm.s32 $0x108;
	s8 =	sld [smem:$0x3FB6]  }
0x2e: {  	s3 =	simm.s32 @!p0 $0x1082;
	s9 =	sld [smem:$0x3FB7]  }
0x2f: {  	lr =	sadd.s32 s0, s3;
	s0 =	sld [smem:$0x3FAE]  }
0x30: {  	s3 =	sld [smem:$0x3FB1]  }
0x31: {  	[smem:$0x3FBA] =	sst s10  }
0x32: {  	s10 =	sld [smem:$0x3FB8];
	_ =	sdelay $0x3  }
0x33: {  	p0 =	seq.s32 s10, $0x1;
	s10 =	sld [smem:$0x3FBA];
	_ =	sdelay $0x3  }
0x34: {  	[smem:$0x3FBA] =	sst s10  }
0x35: {  	s10 =	sld [smem:$0x3FB9];
	_ =	sdelay $0x3  }
0x36: {  	p1 =	seq.s32 s10, $0x1;
	s10 =	sld [smem:$0x3FBA];
	_ =	sdelay $0x3  }
0x37: {  	[smem:$0x3FBA] =	sst s10  }
0x38: {  	s10 =	sld [smem:$0x3FBB]  }
0x39: {  	_ = 	snop;
	(pc) =	sbr.ind lr, $3  }
0x3a: {  	_ = 	snop  }
0x3b: {  	_ = 	snop  }
0x3c: {  	p2 =	seq.s32 s10, $0x1;
	s10 =	sld [smem:$0x3FBA]  }
0x3d: {  	_ =	shalt  }
0x3e: {  	_ =	shalt  }
0x3f: {  	_ =	shalt  }
0x40: {  	_ =	shalt  }
0x41: {  	_ =	shalt  }
0x42: {  	_ =	shalt  }
0x43: {  	_ =	shalt  }
0x44: {  	_ =	shalt  }
0x45: {  	_ =	shalt  }
0x46: {  	_ =	shalt  }
0x47: {  	_ =	shalt  }
0x48: {  	_ =	shalt  }
0x49: {  	_ =	shalt  }
0x4a: {  	_ =	shalt  }
0x4b: {  	_ =	shalt  }
0x4c: {  	_ =	shalt  }
0x4d: {  	_ =	shalt  }
0x4e: {  	_ =	shalt  }
0x4f: {  	_ =	shalt  }
0x50: {  	_ =	shalt  }
0x51: {  	_ =	shalt  }
0x52: {  	_ =	shalt  }
0x53: {  	_ =	shalt  }
0x54: {  	_ =	shalt  }
0x55: {  	_ =	shalt  }
0x56: {  	_ =	shalt  }
0x57: {  	_ =	shalt  }
0x58: {  	_ =	shalt  }
0x59: {  	_ =	shalt  }
0x5a: {  	_ =	shalt  }
0x5b: {  	_ =	shalt  }
0x5c: {  	_ =	shalt  }
0x5d: {  	_ =	shalt  }
0x5e: {  	_ =	shalt  }
0x5f: {  	_ =	shalt  }
0x60: {  	_ =	shalt  }
0x61: {  	_ =	shalt  }
0x62: {  	_ =	shalt  }
0x63: {  	_ =	shalt  }
0x64: {  	_ =	shalt  }
0x65: {  	_ =	shalt  }
0x66: {  	_ =	shalt  }
0x67: {  	_ =	shalt  }
0x68: {  	_ =	shalt  }
0x69: {  	_ =	shalt  }
0x6a: {  	_ =	shalt  }
0x6b: {  	_ =	shalt  }
0x6c: {  	_ =	shalt  }
0x6d: {  	_ =	shalt  }
0x6e: {  	_ =	shalt  }
0x6f: {  	_ =	shalt  }
0x70: {  	_ =	shalt  }
0x71: {  	_ =	shalt  }
0x72: {  	_ =	shalt  }
0x73: {  	_ =	shalt  }
0x74: {  	_ =	shalt  }
0x75: {  	_ =	shalt  }
0x76: {  	_ =	shalt  }
0x77: {  	_ =	shalt  }
0x78: {  	_ =	shalt  }
0x79: {  	_ =	shalt  }
0x7a: {  	_ =	shalt  }
0x7b: {  	_ =	shalt  }
0x7c: {  	_ =	shalt  }
0x7d: {  	_ =	shalt  }
0x7e: {  	_ =	shalt  }
0x7f: {  	_ =	shalt  }
0x80: {  	_ =	shalt  }
0x81: {  	_ =	shalt  }
0x82: {  	_ =	shalt  }
0x83: {  	_ =	shalt  }
0x84: {  	_ =	shalt  }
0x85: {  	_ =	shalt  }
0x86: {  	_ =	shalt  }
0x87: {  	_ =	shalt  }
.Lfunc_end0:
.L_simem_size_0:
called_computation.1_lowered:
.L_overlay_start_0:
0x88: {  	s2 =	sld [smem:$0x3FD9]  }
0x89: {  	s3 =	sld [smem:$0x3FFE];
	_ =	sdelay $0x1  }
0x8a: {  	s1 =	srdreg.scid  }
0x8b: {  	s0 =	sand.u32 $0x1, s1  }
0x8c: {  	s17 =	sshll.u32 s0, $0xA;
	s2 =	sadd.s32 s3, s2  }
0x8d: {  	s2 =	sadd.s32 s2, s17  }
0x8e: {  	[smem:$0x3FC6] =	sst s2  }
0x8f: {  	_ = 	snop  }
0x90: {  	s2 =	sld [smem:$0x3FD0];
	(tm) =	ssettm $0x1  }
0x91: {  	s18 =	sld [smem:$0x3FFB];
	_ =	sdelay $0x3  }
0x92: {  	_ =	strace s18  }
0x93: {  	s3 =	sld [smem:$0x3FFC];
	_ =	sdelay $0x3  }
0x94: {  	_ =	strace s3  }
0x95: {  	s3 =	sld [smem:$0x3FFD];
	_ =	sdelay $0x3  }
0x96: {  	_ =	strace s3  }
0x97: {  	_ =	strace $0x8FFFFFFF  }
0x98: {  	s19 =	sld [smem:$0x3FDB];
	_ =	sdelay $0x1  }
0x99: {  	s4 =	simm.s32 $_scs_section_size  }
0x9a: {  	s5 =	simm.s32 $_size__tile_overlayer_lowered;
	s6 =	simm.s32 $_tile_overlayer_lowered  }
0x9b: {  	s22 =	simm.s32 $0x1BFF;
	s21 =	sshll.u32 s6, $0x1;
	s3 =	sadd.s32 s4, s19  }
0x9c: {  	s7 =	simm.s32 $0x0;
	s20 =	sshll.u32 s5, $0x1;
	s5 =	sadd.s32 s21, s3  }
0x9d: {  	[timem:s7], [sflag:s22] =	dma.local [hbm:s5], s20  }
0x9e: {  	_ =	swait.ge [sflag:s22], s20  }
0x9f: {  	s4 =	ssub.s32 $0x0, s20;
	[sflag:s22] =	ssyncset.done $0x0  }
0xa0: {  	[sflag:s22] =	ssyncadd.s32 s4;
	_ =	sdelay $0x1  }
0xa1: {  	s23 =	simm.s32 $0x1B8B  }
0xa2: {  	_ =	swait.ge [sflag:s23], $0x1  }
0xa3: {  	[sflag:s23] =	ssyncset.done $0x0  }
0xa4: {  	s25 =	simm.s32 $0x1B8E;
	s24 =	sld [smem:$0x3FFE];
	[sflag:s23] =	ssyncadd.s32 $0xFFFFFFFF  }
0xa5: {  	s26 =	simm.s32 $execute0_lowered;
	[smem:$0x3FD2] =	sst s25  }
0xa6: {  	s5 =	sshll.u32 s26, $0x1;
	_ =	strace $0x80000046;
	[dreg:$0x1] =	wrdreg $0xFFFFFFFF  }
0xa7: {  	s28 =	simm.s32 $_size_execute0_lowered;
	s3 =	sadd.s32 s3, s5;
	[dreg:$0x0] =	wrdreg $0x0  }
0xa8: {  	s5 =	sshll.u32 s28, $0x1;
	[dreg:$0x2] =	wrdreg s3  }
0xa9: {  	[dreg:$0x3] =	wrdreg s5  }
0xaa: {  	[dreg:$0x4] =	wrdreg $0xC0  }
0xab: {  	_ =	task [dreg:s7], $0x5FFFF  }
0xac: {  	[dreg:$0x1] =	wrdreg $0xFFFFFFFF  }
0xad: {  	[dreg:$0x0] =	wrdreg $0x60  }
0xae: {  	[dreg:$0x2] =	wrdreg s24  }
0xaf: {  	[dreg:$0x3] =	wrdreg s2  }
0xb0: {  	[dreg:$0x4] =	wrdreg $0x9  }
0xb1: {  	_ =	task.clear_ibuf [dreg:s7], $0x5FFFF;
	_ =	strace $0x90000046  }
0xb2: {  	s29 =	simm.s32 $0x9;
	_ =	strace $0x80000048  }
0xb3: {  	_ =	swait.ge [sflag:s29], $0x1  }
0xb4: {  	[sflag:s29] =	ssyncadd.s32 $0xFFFFFFFF  }
0xb5: {  	_ =	strace $0x90000048  }
0xb6: {  	_ =	sfence  }
0xb7: {  	s30 =	sld [smem:$0x0];
	_ =	sdelay $0x2  }
0xb8: {  	s31 =	sshll.u32 s1, $0xD;
	s1 =	sshrl.u32 s1, $0x2  }
0xb9: {  	s3 =	sand.u32 $0x4000, s31;
	s1 =	sadd.s32 s1, s30  }
0xba: {  	s0 =	sor.u32 s3, s0;
	s1 =	sshll.u32 s1, $0x11  }
0xbb: {  	s0 =	sor.u32 s1, s0  }
0xbc: {  	s0 =	sadd.s32 $0x8F2B, s0  }
0xbd: {  	[sflag:s0] =	ssyncadd.remote.s32 $0x1  }
0xbe: {  	_ =	sfence.sel $0xFFFF  }
0xbf: {  	[dreg:$0x0] =	wrdreg $0xFFFFFFFF;
	(pc) =	sbr.abs _section_cstart, $3  }
0xc0: {  	[dreg:$0x1] =	wrdreg $0xFFFFFFFF  }
0xc1: {  	_ =	task.clear_ibuf [dreg:s7], $0x2FFFF;
	_ =	strace $0x9FFFFFFF  }
0xc2: {  	(tm) =	ssettm $0x7FFFFFFF  }
0xc3: {  	_ =	shalt  }
tec
execute0_lowered:
.L_overlay_start_1:
0x0: {  	(tag) =	ssettag $0x1  }
0x1: {  	s0 =	srdreg.scid;
	s1 =	rddreg [dreg:$0x0]  }
0x2: {  	s9 =	stileid.u32;
	s4 =	rddreg [dreg:$0x1];
	s2 =	simm.s32 $0x0  }
0x3: {  	s16 =	simm.s32 $0x32;
	s28 =	simm.s32 $0x8F40;
	s30 =	simm.s32 $0x9580  }
0x4: {  	s29 =	simm.s32 $0x7;
	s31 =	simm.s32 $0x8;
	s0 =	sand.u32 $0x1, s0  }
0x5: {  	s10 =	simm.s32 $0xF;
	s3 =	sshll.u32 s9, $0xA;
	s5 =	sshll.u32 s0, $0x9  }
0x6: {  	s11 =	simm.s32 $0x10;
	s22 =	smul.u32 $0x32000, s9;
	s3 =	sor.u32 s5, s3  }
0x7: {  	s13 =	simm.s32 $0x0;
	s7 =	ssub.s32 $0x2, s0;
	s5 =	smul.u32 $0x640, s3  }
0x8: {  	[smem:$0x7FF] =	sst s2;
	s8 =	sshrl.u32 s7, $0x1;
	s6 =	smul.u32 $0x7, s3  }
0x9: {  	_ =	strace $0x80000047;
	s3 =	sadd.s32 $0xF42E00, s1;
	s17 =	ssub.s32 s7, s8  }
0xa: {  	s26 =	smax.u32 s17, $0x1;
	s5 =	sshrl.u32 s5, $0x3;
	s1 =	sadd.s32 s6, s1  }
0xb: {  	[dreg:$0xc] =	wrdreg s26;
	s5 =	sadd.s32 s4, s5;
	s1 =	sadd.s32 $0xA00, s1  }
0xc: {  	s9 =	simm.s32 $0xE;
	[dreg:$0x3] =	wrdreg s1;
	s18 =	sadd.s32 $0x189C0, s5  }
0xd: {  	s0 =	smul.u32 $0x19000, s0;
	s19 =	sadd.s32 $0x18A88, s5;
	[dreg:$0x4] =	wrdreg s18  }
0xe: {  	s7 =	simm.s32 $0xC;
	s20 =	sadd.s32 $0x18B50, s5;
	[dreg:$0x5] =	wrdreg s19  }
0xf: {  	s8 =	simm.s32 $0xD;
	s21 =	sadd.s32 $0x18C18, s5;
	[dreg:$0x6] =	wrdreg s20  }
0x10: {  	s17 =	simm.s32 $0x7000;
	s23 =	sadd.s32 $0x18CE0, s5;
	[dreg:$0x7] =	wrdreg s21  }
0x11: {  	s26 =	simm.s32 $0x6;
	s24 =	sadd.s32 $0x18DA8, s5;
	[dreg:$0x8] =	wrdreg s23  }
0x12: {  	s6 =	simm.s32 $0xB;
	s25 =	sadd.s32 $0x18E70, s5;
	[dreg:$0x9] =	wrdreg s24  }
0x13: {  	s5 =	sadd.s32 $0x18F38, s5;
	s1 =	sadd.s32 s22, s4;
	[dreg:$0xa] =	wrdreg s25  }
0x14: {  	s22 =	simm.s32 $0x4;
	s4 =	simm.s32 $0x9;
	[dreg:$0xb] =	wrdreg s5  }
0x15: {  	s0 =	sadd.s32 s0, s1;
	s19 =	simm.s32 $0x7640;
	s21 =	simm.s32 $0x7C80  }
0x16: {  	s23 =	simm.s32 $0x82C0;
	s25 =	simm.s32 $0x8900;
	s1 =	simm.s32 $0x9BC0  }
0x17: {  	s18 =	simm.s32 $0x2;
	s20 =	simm.s32 $0x3;
	s24 =	simm.s32 $0x5  }
0x18: {  	s5 =	simm.s32 $0xA;
	[dreg:$0xd] =	wrdreg s0;
	s0 =	simm.s32 $0x1  }
.LBB2_1:
0x19: {  	[dreg:$0xe] =	wrdreg s13  }
0x1a: {  	s12 =	rddreg [dreg:$0x3];
	s14 =	simm.s32 $0x11  }
0x1b: {  	[tilespmem:s2], [sflag:$0x11] =	stream.linear.gather [hbm4b:s12+s2], $0x7000, $0x38;
	[tilespmem:$0xA200] =	vst v63  }
0x1c: {  	_ =	swait.ge [sflag:s14], $0x7000  }
0x1d: {  	[sflag:s14] =	ssyncset.done $0x0  }
0x1e: {  	[sflag:s14] =	ssyncadd.s32 $0xFFFF9000  }
0x1f: {  	[tilespmem:s17], [sflag:$0x1] =	stream.indirect.gather [hbm4b:s3+s16], $0x20, s2, s16, $0xb8;
	[tilespmem:$0xA200] =	vst v63  }
0x20: {  	s15 =	simm.s32 $0x38  }
0x21: {  	[tilespmem:s19], [sflag:$0x2] =	stream.indirect.gather [hbm4b:s3+s16], $0x20, s15, s16, $0xb8;
	[tilespmem:$0xA200] =	vst v63  }
0x22: {  	s13 =	simm.s32 $0x70  }
0x23: {  	[tilespmem:s21], [sflag:$0x3] =	stream.indirect.gather [hbm4b:s3+s16], $0x20, s13, s16, $0xb8;
	[tilespmem:$0xA200] =	vst v63  }
0x24: {  	s14 =	simm.s32 $0xA8  }
0x25: {  	[tilespmem:s23], [sflag:$0x4] =	stream.indirect.gather [hbm4b:s3+s16], $0x20, s14, s16, $0xb8;
	[tilespmem:$0xA200] =	vst v63  }
0x26: {  	s15 =	simm.s32 $0xE0  }
0x27: {  	[tilespmem:s25], [sflag:$0x5] =	stream.indirect.gather [hbm4b:s3+s16], $0x20, s15, s16, $0xb8;
	[tilespmem:$0xA200] =	vst v63  }
0x28: {  	s13 =	simm.s32 $0x118  }
0x29: {  	[tilespmem:s28], [sflag:$0x6] =	stream.indirect.gather [hbm4b:s3+s16], $0x20, s13, s16, $0xb8;
	[tilespmem:$0xA200] =	vst v63  }
0x2a: {  	s14 =	simm.s32 $0x150  }
0x2b: {  	[tilespmem:s30], [sflag:$0x7] =	stream.indirect.gather [hbm4b:s3+s16], $0x20, s14, s16, $0xb8;
	[tilespmem:$0xA200] =	vst v63  }
0x2c: {  	s15 =	simm.s32 $0x188  }
0x2d: {  	[tilespmem:s1], [sflag:$0x8] =	stream.indirect.gather [hbm4b:s3+s16], $0x20, s15, s16, $0xb8;
	[tilespmem:$0xA200] =	vst v63  }
0x2e: {  	_ =	swait.ge [sflag:s0], $0x640  }
0x2f: {  	[sflag:s0] =	ssyncset.done $0x0  }
0x30: {  	s14 =	rddreg [dreg:$0xd];
	[sflag:s0] =	ssyncadd.s32 $0xFFFFF9C0  }
0x31: {  	[hbm4b:s14+s2] =	stream.linear.scatter [tilespmem:s17], [sflag:$0x9], $0x640, $0x38;
	[tilespmem:$0xA200] =	vst v63  }
0x32: {  	_ =	swait.ge [sflag:s18], $0x640  }
0x33: {  	[sflag:s18] =	ssyncset.done $0x0  }
0x34: {  	s13 =	sadd.s32 $0xC8, s14;
	[sflag:s18] =	ssyncadd.s32 $0xFFFFF9C0  }
0x35: {  	[hbm4b:s13+s2] =	stream.linear.scatter [tilespmem:s19], [sflag:$0xA], $0x640, $0x38;
	[tilespmem:$0xA200] =	vst v63  }
0x36: {  	_ =	swait.ge [sflag:s20], $0x640  }
0x37: {  	[sflag:s20] =	ssyncset.done $0x0  }
0x38: {  	s15 =	sadd.s32 $0x190, s14;
	[sflag:s20] =	ssyncadd.s32 $0xFFFFF9C0  }
0x39: {  	[hbm4b:s15+s2] =	stream.linear.scatter [tilespmem:s21], [sflag:$0xB], $0x640, $0x38;
	[tilespmem:$0xA200] =	vst v63  }
0x3a: {  	_ =	swait.ge [sflag:s22], $0x640  }
0x3b: {  	[sflag:s22] =	ssyncset.done $0x0  }
0x3c: {  	s13 =	sadd.s32 $0x258, s14;
	[sflag:s22] =	ssyncadd.s32 $0xFFFFF9C0  }
0x3d: {  	[hbm4b:s13+s2] =	stream.linear.scatter [tilespmem:s23], [sflag:$0xC], $0x640, $0x38;
	[tilespmem:$0xA200] =	vst v63  }
0x3e: {  	_ =	swait.ge [sflag:s24], $0x640  }
0x3f: {  	[sflag:s24] =	ssyncset.done $0x0  }
0x40: {  	s15 =	sadd.s32 $0x320, s14;
	[sflag:s24] =	ssyncadd.s32 $0xFFFFF9C0  }
0x41: {  	[hbm4b:s15+s2] =	stream.linear.scatter [tilespmem:s25], [sflag:$0xD], $0x640, $0x38;
	[tilespmem:$0xA200] =	vst v63  }
0x42: {  	_ =	swait.ge [sflag:s26], $0x640  }
0x43: {  	[sflag:s26] =	ssyncset.done $0x0  }
0x44: {  	s13 =	sadd.s32 $0x3E8, s14;
	[sflag:s26] =	ssyncadd.s32 $0xFFFFF9C0  }
0x45: {  	[hbm4b:s13+s2] =	stream.linear.scatter [tilespmem:s28], [sflag:$0xE], $0x640, $0x38;
	[tilespmem:$0xA200] =	vst v63  }
0x46: {  	_ =	swait.ge [sflag:s29], $0x640  }
0x47: {  	[sflag:s29] =	ssyncset.done $0x0  }
0x48: {  	s15 =	sadd.s32 $0x4B0, s14;
	[sflag:s29] =	ssyncadd.s32 $0xFFFFF9C0  }
0x49: {  	[hbm4b:s15+s2] =	stream.linear.scatter [tilespmem:s30], [sflag:$0xF], $0x640, $0x38;
	[tilespmem:$0xA200] =	vst v63  }
0x4a: {  	_ =	swait.ge [sflag:s31], $0x640  }
0x4b: {  	[sflag:s31] =	ssyncset.done $0x0  }
0x4c: {  	s13 =	sadd.s32 $0x578, s14;
	[sflag:s31] =	ssyncadd.s32 $0xFFFFF9C0  }
0x4d: {  	[hbm4b:s13+s2] =	stream.linear.scatter [tilespmem:s1], [sflag:$0x10], $0x640, $0x38;
	[tilespmem:$0xA200] =	vst v63  }
0x4e: {  	_ =	swait.ge [sflag:s4], $0x640  }
0x4f: {  	[sflag:s4] =	ssyncset.done $0x0  }
0x50: {  	s15 =	simm.s32 $0x1C0;
	[sflag:s4] =	ssyncadd.s32 $0xFFFFF9C0  }
0x51: {  	[tilespmem:s17], [sflag:$0x1] =	stream.indirect.gather [hbm4b:s3+s16], $0x20, s15, s16, $0xb8;
	[tilespmem:$0xA200] =	vst v63  }
0x52: {  	_ =	swait.ge [sflag:s5], $0x640  }
0x53: {  	[sflag:s5] =	ssyncset.done $0x0  }
0x54: {  	s13 =	simm.s32 $0x1F8;
	[sflag:s5] =	ssyncadd.s32 $0xFFFFF9C0  }
0x55: {  	[tilespmem:s19], [sflag:$0x2] =	stream.indirect.gather [hbm4b:s3+s16], $0x20, s13, s16, $0xb8;
	[tilespmem:$0xA200] =	vst v63  }
0x56: {  	_ =	swait.ge [sflag:s6], $0x640  }
0x57: {  	[sflag:s6] =	ssyncset.done $0x0  }
0x58: {  	s15 =	simm.s32 $0x230;
	[sflag:s6] =	ssyncadd.s32 $0xFFFFF9C0  }
0x59: {  	[tilespmem:s21], [sflag:$0x3] =	stream.indirect.gather [hbm4b:s3+s16], $0x20, s15, s16, $0xb8;
	[tilespmem:$0xA200] =	vst v63  }
0x5a: {  	_ =	swait.ge [sflag:s7], $0x640  }
0x5b: {  	[sflag:s7] =	ssyncset.done $0x0  }
0x5c: {  	s13 =	simm.s32 $0x268;
	[sflag:s7] =	ssyncadd.s32 $0xFFFFF9C0  }
0x5d: {  	[tilespmem:s23], [sflag:$0x4] =	stream.indirect.gather [hbm4b:s3+s16], $0x20, s13, s16, $0xb8;
	[tilespmem:$0xA200] =	vst v63  }
0x5e: {  	_ =	swait.ge [sflag:s8], $0x640  }
0x5f: {  	[sflag:s8] =	ssyncset.done $0x0  }
0x60: {  	s15 =	simm.s32 $0x2A0;
	[sflag:s8] =	ssyncadd.s32 $0xFFFFF9C0  }
0x61: {  	[tilespmem:s25], [sflag:$0x5] =	stream.indirect.gather [hbm4b:s3+s16], $0x20, s15, s16, $0xb8;
	[tilespmem:$0xA200] =	vst v63  }
0x62: {  	_ =	swait.ge [sflag:s9], $0x640  }
0x63: {  	[sflag:s9] =	ssyncset.done $0x0  }
0x64: {  	s13 =	simm.s32 $0x2D8;
	[sflag:s9] =	ssyncadd.s32 $0xFFFFF9C0  }
0x65: {  	[tilespmem:s28], [sflag:$0x6] =	stream.indirect.gather [hbm4b:s3+s16], $0x20, s13, s16, $0xb8;
	[tilespmem:$0xA200] =	vst v63  }
0x66: {  	_ =	swait.ge [sflag:s10], $0x640  }
0x67: {  	[sflag:s10] =	ssyncset.done $0x0  }
0x68: {  	s15 =	simm.s32 $0x310;
	[sflag:s10] =	ssyncadd.s32 $0xFFFFF9C0  }
0x69: {  	[tilespmem:s30], [sflag:$0x7] =	stream.indirect.gather [hbm4b:s3+s16], $0x20, s15, s16, $0xb8;
	[tilespmem:$0xA200] =	vst v63  }
0x6a: {  	_ =	swait.ge [sflag:s11], $0x640  }
0x6b: {  	s12 =	simm.s32 $0x348;
	[sflag:s11] =	ssyncset.done $0x0  }
0x6c: {  	s13 =	simm.s32 $0x700;
	s15 =	sadd.s32 $0x640, s14;
	[sflag:s11] =	ssyncadd.s32 $0xFFFFF9C0  }
.LBB2_2:
0x6d: {  	[tilespmem:s1], [sflag:$0x8] =	stream.indirect.gather [hbm4b:s3+s16], $0x20, s12, s16, $0xb8;
	[tilespmem:$0xA200] =	vst v63  }
0x6e: {  	s12 =	smov.u32 s13  }
0x6f: {  	p0 =	sne.s32 s13, $0x1B200;
	s13 =	sadd.s32 $0x700, s13;
	_ =	swait.ge [sflag:s0], $0x640  }
0x70: {  	[sflag:s0] =	ssyncset.done $0x0  }
0x71: {  	[sflag:s0] =	ssyncadd.s32 $0xFFFFF9C0  }
0x72: {  	[hbm4b:s15+s2] =	stream.linear.scatter [tilespmem:s17], [sflag:$0x9], $0x640, $0x38;
	[tilespmem:$0xA200] =	vst v63  }
0x73: {  	_ =	swait.ge [sflag:s18], $0x640  }
0x74: {  	[sflag:s18] =	ssyncset.done $0x0  }
0x75: {  	s14 =	sadd.s32 $0xC8, s15;
	[sflag:s18] =	ssyncadd.s32 $0xFFFFF9C0  }
0x76: {  	[hbm4b:s14+s2] =	stream.linear.scatter [tilespmem:s19], [sflag:$0xA], $0x640, $0x38;
	[tilespmem:$0xA200] =	vst v63  }
0x77: {  	_ =	swait.ge [sflag:s20], $0x640  }
0x78: {  	[sflag:s20] =	ssyncset.done $0x0  }
0x79: {  	s14 =	sadd.s32 $0x190, s15;
	[sflag:s20] =	ssyncadd.s32 $0xFFFFF9C0  }
0x7a: {  	[hbm4b:s14+s2] =	stream.linear.scatter [tilespmem:s21], [sflag:$0xB], $0x640, $0x38;
	[tilespmem:$0xA200] =	vst v63  }
0x7b: {  	_ =	swait.ge [sflag:s22], $0x640  }
0x7c: {  	[sflag:s22] =	ssyncset.done $0x0  }
0x7d: {  	s14 =	sadd.s32 $0x258, s15;
	[sflag:s22] =	ssyncadd.s32 $0xFFFFF9C0  }
0x7e: {  	[hbm4b:s14+s2] =	stream.linear.scatter [tilespmem:s23], [sflag:$0xC], $0x640, $0x38;
	[tilespmem:$0xA200] =	vst v63  }
0x7f: {  	_ =	swait.ge [sflag:s24], $0x640  }
0x80: {  	[sflag:s24] =	ssyncset.done $0x0  }
0x81: {  	s14 =	sadd.s32 $0x320, s15;
	[sflag:s24] =	ssyncadd.s32 $0xFFFFF9C0  }
0x82: {  	[hbm4b:s14+s2] =	stream.linear.scatter [tilespmem:s25], [sflag:$0xD], $0x640, $0x38;
	[tilespmem:$0xA200] =	vst v63  }
0x83: {  	_ =	swait.ge [sflag:s26], $0x640  }
0x84: {  	[sflag:s26] =	ssyncset.done $0x0  }
0x85: {  	s14 =	sadd.s32 $0x3E8, s15;
	[sflag:s26] =	ssyncadd.s32 $0xFFFFF9C0  }
0x86: {  	[hbm4b:s14+s2] =	stream.linear.scatter [tilespmem:s28], [sflag:$0xE], $0x640, $0x38;
	[tilespmem:$0xA200] =	vst v63  }
0x87: {  	_ =	swait.ge [sflag:s29], $0x640  }
0x88: {  	[sflag:s29] =	ssyncset.done $0x0  }
0x89: {  	s14 =	sadd.s32 $0x4B0, s15;
	[sflag:s29] =	ssyncadd.s32 $0xFFFFF9C0  }
0x8a: {  	[hbm4b:s14+s2] =	stream.linear.scatter [tilespmem:s30], [sflag:$0xF], $0x640, $0x38;
	[tilespmem:$0xA200] =	vst v63  }
0x8b: {  	_ =	swait.ge [sflag:s31], $0x640  }
0x8c: {  	[sflag:s31] =	ssyncset.done $0x0  }
0x8d: {  	s14 =	sadd.s32 $0x578, s15;
	[sflag:s31] =	ssyncadd.s32 $0xFFFFF9C0  }
0x8e: {  	[hbm4b:s14+s2] =	stream.linear.scatter [tilespmem:s1], [sflag:$0x10], $0x640, $0x38;
	[tilespmem:$0xA200] =	vst v63  }
0x8f: {  	_ =	swait.ge [sflag:s4], $0x640  }
0x90: {  	s12 =	sshra.s32 s12, $0x2;
	[sflag:s4] =	ssyncset.done $0x0  }
0x91: {  	s14 =	sadd.s32 $0x1C0, s12;
	[sflag:s4] =	ssyncadd.s32 $0xFFFFF9C0  }
0x92: {  	[tilespmem:s17], [sflag:$0x1] =	stream.indirect.gather [hbm4b:s3+s16], $0x20, s14, s16, $0xb8;
	[tilespmem:$0xA200] =	vst v63  }
0x93: {  	_ =	swait.ge [sflag:s5], $0x640  }
0x94: {  	[sflag:s5] =	ssyncset.done $0x0  }
0x95: {  	s14 =	sadd.s32 $0x1F8, s12;
	[sflag:s5] =	ssyncadd.s32 $0xFFFFF9C0  }
0x96: {  	[tilespmem:s19], [sflag:$0x2] =	stream.indirect.gather [hbm4b:s3+s16], $0x20, s14, s16, $0xb8;
	[tilespmem:$0xA200] =	vst v63  }
0x97: {  	_ =	swait.ge [sflag:s6], $0x640  }
0x98: {  	[sflag:s6] =	ssyncset.done $0x0  }
0x99: {  	s14 =	sadd.s32 $0x230, s12;
	[sflag:s6] =	ssyncadd.s32 $0xFFFFF9C0  }
0x9a: {  	[tilespmem:s21], [sflag:$0x3] =	stream.indirect.gather [hbm4b:s3+s16], $0x20, s14, s16, $0xb8;
	[tilespmem:$0xA200] =	vst v63  }
0x9b: {  	_ =	swait.ge [sflag:s7], $0x640  }
0x9c: {  	[sflag:s7] =	ssyncset.done $0x0  }
0x9d: {  	s14 =	sadd.s32 $0x268, s12;
	[sflag:s7] =	ssyncadd.s32 $0xFFFFF9C0  }
0x9e: {  	[tilespmem:s23], [sflag:$0x4] =	stream.indirect.gather [hbm4b:s3+s16], $0x20, s14, s16, $0xb8;
	[tilespmem:$0xA200] =	vst v63  }
0x9f: {  	_ =	swait.ge [sflag:s8], $0x640  }
0xa0: {  	[sflag:s8] =	ssyncset.done $0x0  }
0xa1: {  	s14 =	sadd.s32 $0x2A0, s12;
	[sflag:s8] =	ssyncadd.s32 $0xFFFFF9C0  }
0xa2: {  	[tilespmem:s25], [sflag:$0x5] =	stream.indirect.gather [hbm4b:s3+s16], $0x20, s14, s16, $0xb8;
	[tilespmem:$0xA200] =	vst v63  }
0xa3: {  	_ =	swait.ge [sflag:s9], $0x640  }
0xa4: {  	[sflag:s9] =	ssyncset.done $0x0  }
0xa5: {  	s14 =	sadd.s32 $0x2D8, s12;
	[sflag:s9] =	ssyncadd.s32 $0xFFFFF9C0  }
0xa6: {  	[tilespmem:s28], [sflag:$0x6] =	stream.indirect.gather [hbm4b:s3+s16], $0x20, s14, s16, $0xb8;
	[tilespmem:$0xA200] =	vst v63  }
0xa7: {  	_ =	swait.ge [sflag:s10], $0x640  }
0xa8: {  	[sflag:s10] =	ssyncset.done $0x0  }
.Ltmp0:
0xa9: {  	s14 =	sadd.s32 $0x310, s12;
	[sflag:s10] =	ssyncadd.s32 $0xFFFFF9C0;
	(pc) =	sbr.rel @p0 .LBB2_2-.Ltmp0, $4  }
0xaa: {  	[tilespmem:s30], [sflag:$0x7] =	stream.indirect.gather [hbm4b:s3+s16], $0x20, s14, s16, $0xb8;
	[tilespmem:$0xA200] =	vst v63  }
0xab: {  	_ =	swait.ge [sflag:s11], $0x640  }
0xac: {  	[sflag:s11] =	ssyncset.done $0x0  }
0xad: {  	s15 =	sadd.s32 $0x640, s15;
	s12 =	sadd.s32 $0x348, s12;
	[sflag:s11] =	ssyncadd.s32 $0xFFFFF9C0  }
0xae: {  	[tilespmem:s1], [sflag:$0x8] =	stream.indirect.gather [hbm4b:s3+s16], $0x20, s12, s16, $0xb8;
	[tilespmem:$0xA200] =	vst v63  }
0xaf: {  	_ =	swait.ge [sflag:s0], $0x640  }
0xb0: {  	[sflag:s0] =	ssyncset.done $0x0  }
0xb1: {  	s13 =	rddreg [dreg:$0x4];
	[sflag:s0] =	ssyncadd.s32 $0xFFFFF9C0  }
0xb2: {  	[hbm4b:s13+s2] =	stream.linear.scatter [tilespmem:s17], [sflag:$0x9], $0x640, $0x38;
	[tilespmem:$0xA200] =	vst v63  }
0xb3: {  	_ =	swait.ge [sflag:s18], $0x640  }
0xb4: {  	[sflag:s18] =	ssyncset.done $0x0  }
0xb5: {  	s14 =	rddreg [dreg:$0x5];
	[sflag:s18] =	ssyncadd.s32 $0xFFFFF9C0  }
0xb6: {  	[hbm4b:s14+s2] =	stream.linear.scatter [tilespmem:s19], [sflag:$0xA], $0x640, $0x38;
	[tilespmem:$0xA200] =	vst v63  }
0xb7: {  	_ =	swait.ge [sflag:s20], $0x640  }
0xb8: {  	[sflag:s20] =	ssyncset.done $0x0  }
0xb9: {  	s15 =	rddreg [dreg:$0x6];
	[sflag:s20] =	ssyncadd.s32 $0xFFFFF9C0  }
0xba: {  	[hbm4b:s15+s2] =	stream.linear.scatter [tilespmem:s21], [sflag:$0xB], $0x640, $0x38;
	[tilespmem:$0xA200] =	vst v63  }
0xbb: {  	_ =	swait.ge [sflag:s22], $0x640  }
0xbc: {  	[sflag:s22] =	ssyncset.done $0x0  }
0xbd: {  	s13 =	rddreg [dreg:$0x7];
	[sflag:s22] =	ssyncadd.s32 $0xFFFFF9C0  }
0xbe: {  	[hbm4b:s13+s2] =	stream.linear.scatter [tilespmem:s23], [sflag:$0xC], $0x640, $0x38;
	[tilespmem:$0xA200] =	vst v63  }
0xbf: {  	_ =	swait.ge [sflag:s24], $0x640  }
0xc0: {  	[sflag:s24] =	ssyncset.done $0x0  }
0xc1: {  	s14 =	rddreg [dreg:$0x8];
	[sflag:s24] =	ssyncadd.s32 $0xFFFFF9C0  }
0xc2: {  	[hbm4b:s14+s2] =	stream.linear.scatter [tilespmem:s25], [sflag:$0xD], $0x640, $0x38;
	[tilespmem:$0xA200] =	vst v63  }
0xc3: {  	_ =	swait.ge [sflag:s26], $0x640  }
0xc4: {  	[sflag:s26] =	ssyncset.done $0x0  }
0xc5: {  	s15 =	rddreg [dreg:$0x9];
	[sflag:s26] =	ssyncadd.s32 $0xFFFFF9C0  }
0xc6: {  	[hbm4b:s15+s2] =	stream.linear.scatter [tilespmem:s28], [sflag:$0xE], $0x640, $0x38;
	[tilespmem:$0xA200] =	vst v63  }
0xc7: {  	_ =	swait.ge [sflag:s29], $0x640  }
0xc8: {  	[sflag:s29] =	ssyncset.done $0x0  }
0xc9: {  	s13 =	rddreg [dreg:$0xa];
	[sflag:s29] =	ssyncadd.s32 $0xFFFFF9C0  }
0xca: {  	[hbm4b:s13+s2] =	stream.linear.scatter [tilespmem:s30], [sflag:$0xF], $0x640, $0x38;
	[tilespmem:$0xA200] =	vst v63  }
0xcb: {  	_ =	swait.ge [sflag:s31], $0x640  }
0xcc: {  	[sflag:s31] =	ssyncset.done $0x0  }
0xcd: {  	s14 =	rddreg [dreg:$0xb];
	[sflag:s31] =	ssyncadd.s32 $0xFFFFF9C0  }
0xce: {  	[hbm4b:s14+s2] =	stream.linear.scatter [tilespmem:s1], [sflag:$0x10], $0x640, $0x38;
	[tilespmem:$0xA200] =	vst v63  }
0xcf: {  	_ =	swait.ge [sflag:s4], $0x640  }
0xd0: {  	[sflag:s4] =	ssyncset.done $0x0  }
0xd1: {  	[sflag:s4] =	ssyncadd.s32 $0xFFFFF9C0  }
0xd2: {  	_ =	swait.ge [sflag:s5], $0x640  }
0xd3: {  	[sflag:s5] =	ssyncset.done $0x0  }
0xd4: {  	[sflag:s5] =	ssyncadd.s32 $0xFFFFF9C0  }
0xd5: {  	_ =	swait.ge [sflag:s6], $0x640  }
0xd6: {  	[sflag:s6] =	ssyncset.done $0x0  }
0xd7: {  	[sflag:s6] =	ssyncadd.s32 $0xFFFFF9C0  }
0xd8: {  	_ =	swait.ge [sflag:s7], $0x640  }
0xd9: {  	[sflag:s7] =	ssyncset.done $0x0  }
0xda: {  	[sflag:s7] =	ssyncadd.s32 $0xFFFFF9C0  }
0xdb: {  	_ =	swait.ge [sflag:s8], $0x640  }
0xdc: {  	[sflag:s8] =	ssyncset.done $0x0  }
0xdd: {  	[sflag:s8] =	ssyncadd.s32 $0xFFFFF9C0  }
0xde: {  	_ =	swait.ge [sflag:s9], $0x640  }
0xdf: {  	[sflag:s9] =	ssyncset.done $0x0  }
0xe0: {  	[sflag:s9] =	ssyncadd.s32 $0xFFFFF9C0  }
0xe1: {  	_ =	swait.ge [sflag:s10], $0x640  }
0xe2: {  	[sflag:s10] =	ssyncset.done $0x0  }
0xe3: {  	[sflag:s10] =	ssyncadd.s32 $0xFFFFF9C0  }
0xe4: {  	_ =	swait.ge [sflag:s11], $0x640  }
0xe5: {  	s13 =	rddreg [dreg:$0xe]  }
0xe6: {  	s15 =	rddreg [dreg:$0xc];
	s13 =	sadd.s32 $0x1, s13  }
0xe7: {  	p0 =	sne.s32 s13, s15  }
.Ltmp1:
0xe8: {  	_ = 	snop;
	(pc) =	sbr.rel @p0 .LBB2_1-.Ltmp1, $3  }
0xe9: {  	_ =	sdelay $0x1  }
0xea: {  	[sflag:s11] =	ssyncset.done $0x0  }
0xeb: {  	[sflag:s11] =	ssyncadd.s32 $0xFFFFF9C0  }
0xec: {  	_ =	sfence.sel $0x180000  }
0xed: {  	[bflag:$0x0] =	sbarrier.arrive $0xFFFF  }
0xee: {  	_ =	strace $0x90000047  }
0xef: {  	s0 =	stileid.u32;
	[bflag:$0x2] =	sbarrier.arrive $0xFFFF  }
0xf0: {  	p0 =	sne.s32 s0, $0x0;
	s0 =	rddreg [dreg:$0x2]  }
0xf1: {  	s0 =	sadd.s32 @!p0 $0x100000, s0  }
0xf2: {  	[sflag:s0] =	ssyncadd.tile.s32 @!p0 $0x1;
	_ =	shalt  }
.Lfunc_end2:
_tile_overlayer_lowered:
.L_overlay_start_2:
0xf3: {  	(tag) =	ssettag $0x2  }
0xf4: {  	s0 =	rddreg [dreg:$0x0];
	s2 =	stileid.u32  }
0xf5: {  	s1 =	rddreg [dreg:$0x1];
	p0 =	sne.s32 s2, $0x0  }
0xf6: {  	s3 =	rddreg [dreg:$0x2];
	[bflag:$0x3] =	sbarrier.arrive $0xFFFF;
	s2 =	simm.s32 @!p0 $0x1C11  }
0xf7: {  	[timem:s3], [sflag:s2] =	dma.local @!p0 [hbm:s0], s1  }
0xf8: {  	s0 =	simm.s32 @!p0 $0x11  }
0xf9: {  	_ =	swait.ge @!p0 [sflag:s0], s1  }
0xfa: {  	s1 =	ssub.s32 @!p0 $0x0, s1;
	[sflag:s0] =	ssyncset.done @!p0 $0x0  }
0xfb: {  	[sflag:s0] =	ssyncadd.s32 @!p0 s1  }
0xfc: {  	[bflag:$0x3] =	sbarrier.arrive $0xFFFF  }
0xfd: {  	_ =	shalt  }

// kernel: sparse-core-data-format-call.cloned.1.call-start
scs
called_computation_lowered:
.L_overlay_start_0:
0x0: {  	s2 =	sld [smem:$0x3FD9]  }
0x1: {  	s3 =	sld [smem:$0x3FFE];
	_ =	sdelay $0x1  }
0x2: {  	s1 =	srdreg.scid  }
0x3: {  	s0 =	sand.u32 $0x1, s1  }
0x4: {  	s18 =	sshll.u32 s0, $0xA;
	s2 =	sadd.s32 s3, s2  }
0x5: {  	s2 =	sadd.s32 s2, s18  }
0x6: {  	[smem:$0x3FC6] =	sst s2  }
0x7: {  	_ = 	snop  }
0x8: {  	s2 =	sld [smem:$0x3FD0];
	(tm) =	ssettm $0x1  }
0x9: {  	s19 =	sld [smem:$0x3FFB];
	_ =	sdelay $0x3  }
0xa: {  	_ =	strace s19  }
0xb: {  	s3 =	sld [smem:$0x3FFC];
	_ =	sdelay $0x3  }
0xc: {  	_ =	strace s3  }
0xd: {  	s3 =	sld [smem:$0x3FFD];
	_ =	sdelay $0x3  }
0xe: {  	_ =	strace s3  }
0xf: {  	_ =	strace $0x8FFFFFFF  }
0x10: {  	s20 =	sld [smem:$0x3FDB];
	_ =	sdelay $0x1  }
0x11: {  	s4 =	simm.s32 $_scs_section_size  }
0x12: {  	s5 =	simm.s32 $_size__tile_overlayer_lowered;
	s6 =	simm.s32 $_tile_overlayer_lowered  }
0x13: {  	s23 =	simm.s32 $0x1BFF;
	s22 =	sshll.u32 s6, $0x1;
	s3 =	sadd.s32 s4, s20  }
0x14: {  	s7 =	simm.s32 $0x0;
	s21 =	sshll.u32 s5, $0x1;
	s5 =	sadd.s32 s22, s3  }
0x15: {  	[timem:s7], [sflag:s23] =	dma.local [hbm:s5], s21  }
0x16: {  	_ =	swait.ge [sflag:s23], s21  }
0x17: {  	s4 =	ssub.s32 $0x0, s21;
	[sflag:s23] =	ssyncset.done $0x0  }
0x18: {  	[sflag:s23] =	ssyncadd.s32 s4;
	_ =	sdelay $0x1  }
0x19: {  	s24 =	simm.s32 $0x1B8B  }
0x1a: {  	_ =	swait.ge [sflag:s24], $0x1  }
0x1b: {  	[sflag:s24] =	ssyncset.done $0x0  }
0x1c: {  	s26 =	simm.s32 $0x1B8E;
	s25 =	sld [smem:$0x3FFE];
	[sflag:s24] =	ssyncadd.s32 $0xFFFFFFFF  }
0x1d: {  	s27 =	simm.s32 $execute0_lowered;
	[smem:$0x3FD2] =	sst s26  }
0x1e: {  	s5 =	sshll.u32 s27, $0x1;
	_ =	strace $0x80000049;
	[dreg:$0x1] =	wrdreg $0xFFFFFFFF  }
0x1f: {  	s28 =	simm.s32 $_size_execute0_lowered;
	s3 =	sadd.s32 s3, s5;
	[dreg:$0x0] =	wrdreg $0x0  }
0x20: {  	s5 =	sshll.u32 s28, $0x1;
	[dreg:$0x2] =	wrdreg s3  }
0x21: {  	[dreg:$0x3] =	wrdreg s5  }
0x22: {  	[dreg:$0x4] =	wrdreg $0xC0  }
0x23: {  	_ =	task [dreg:s7], $0x5FFFF  }
0x24: {  	[dreg:$0x1] =	wrdreg $0xFFFFFFFF  }
0x25: {  	[dreg:$0x0] =	wrdreg $0x60  }
0x26: {  	[dreg:$0x2] =	wrdreg s25  }
0x27: {  	[dreg:$0x3] =	wrdreg s2  }
0x28: {  	[dreg:$0x4] =	wrdreg $0x9  }
0x29: {  	_ =	task.clear_ibuf [dreg:s7], $0x5FFFF;
	_ =	strace $0x90000049  }
0x2a: {  	s29 =	simm.s32 $0x9;
	_ =	strace $0x8000004B  }
0x2b: {  	_ =	swait.ge [sflag:s29], $0x1  }
0x2c: {  	[sflag:s29] =	ssyncadd.s32 $0xFFFFFFFF  }
0x2d: {  	_ =	strace $0x9000004B  }
0x2e: {  	_ =	sfence  }
0x2f: {  	s30 =	sld [smem:$0x0];
	_ =	sdelay $0x2  }
0x30: {  	s31 =	sshll.u32 s1, $0xD;
	s1 =	sshrl.u32 s1, $0x2  }
0x31: {  	s3 =	sand.u32 $0x4000, s31;
	s1 =	sadd.s32 s1, s30  }
0x32: {  	s0 =	sor.u32 s3, s0;
	s1 =	sshll.u32 s1, $0x11  }
0x33: {  	s0 =	sor.u32 s1, s0  }
0x34: {  	s0 =	sadd.s32 $0x8F2B, s0  }
0x35: {  	[sflag:s0] =	ssyncadd.remote.s32 $0x1  }
0x36: {  	_ =	sfence.sel $0xFFFF  }
0x37: {  	[dreg:$0x0] =	wrdreg $0xFFFFFFFF;
	(pc) =	sbr.abs _section_cstart, $3  }
0x38: {  	[dreg:$0x1] =	wrdreg $0xFFFFFFFF  }
0x39: {  	_ =	task.clear_ibuf [dreg:s7], $0x2FFFF;
	_ =	strace $0x9FFFFFFF  }
0x3a: {  	(tm) =	ssettm $0x7FFFFFFF  }
0x3b: {  	_ =	shalt  }
tec
execute0_lowered:
.L_overlay_start_1:
0x0: {  	(tag) =	ssettag $0x1  }
0x1: {  	s0 =	srdreg.scid  }
0x2: {  	s1 =	sshll.u32 s0, $0x4  }
0x3: {  	s0 =	stileid.u32;
	s1 =	sand.u32 $0x10, s1  }
0x4: {  	s1 =	sor.u32 s0, s1  }
0x5: {  	s6 =	rddreg [dreg:$0x0];
	s4 =	simm.s32 $0x1;
	s2 =	sshll.u32 s1, $0x7  }
0x6: {  	s7 =	simm.s32 $0x2;
	s12 =	simm.s32 $0x0;
	s1 =	ssub.s32 $0x4000, s2  }
0x7: {  	s8 =	simm.s32 $0x20000;
	s13 =	simm.s32 $0x0;
	s3 =	sand.u32 $0xF80, s1  }
0x8: {  	s9 =	simm.s32 $0x0;
	s5 =	sshrl.u32 s1, $0xC;
	p0 =	sne.s32 s3, $0x0  }
.Ltmp0:
0x9: {  	s1 =	rddreg [dreg:$0x2];
	s4 =	simm.s32 @!p0 $0x0;
	(pc) =	sbr.rel .LBB1_1-.Ltmp0, $4  }
0xa: {  	s11 =	simm.s32 $0x0;
	s3 =	rddreg [dreg:$0x1];
	s5 =	sadd.s32 s4, s5  }
0xb: {  	_ =	strace $0x8000004A;
	s4 =	simm.s32 $0x1;
	s5 =	smul.u32 $0x32, s5  }
0xc: {  	s6 =	sadd.s32 $0xA00, s6;
	s10 =	smov.u32 s2;
	[sflag:s4] =	ssyncpa.u1 $0x0  }
0xd: {  	p0 =	por $0x0, $0x0;
	[sflag:s7] =	ssyncpa.u1 $0x0;
	s7 =	sor.u32 $0x1, s5  }
.LBB1_4:
0xe: {  	s16 =	sshll.u32 s13, $0x3;
	s17 =	sand.u32 $0x78, s13  }
0xf: {  	s30 =	sand.u32 $0xF800, s13;
	s12 =	sshll.u32 s12, $0x10;
	s16 =	sand.u32 $0x3C00, s16  }
0x10: {  	s31 =	sand.u32 $0x7, s13;
	s16 =	sor.u32 s17, s16;
	s17 =	sadd.s32 s3, s30  }
0x11: {  	s13 =	sshll.u32 s31, $0x12;
	s16 =	sshrl.u32 s16, $0x3;
	s12 =	sadd.s32 s12, s17  }
0x12: {  	[tilespmem:s15+$0x0 ss:$0x81] =	vst.msk $0xffff, v0;
	s13 =	sor.u32 $0x400, s13;
	s12 =	sadd.s32 s16, s12  }
0x13: {  	[hbm4b:s12+s13] =	stream.strided.scatter [tilespmem:s14], [sflag:$0x2], $0x1000, s8, s13, $0x20;
	[tilespmem:$0x4040] =	vst v63  }
.LBB1_5:
0x14: {  	s14 =	sadd.s32 $0x1, s9  }
0x15: {  	s12 =	sadd.s32 $0x1000, s10;
	s16 =	smov.u32 s10;
	p2 =	sgt.s32 s14, $0x31  }
0x16: {  	s16 =	smov.u32 @p2 s12  }
0x17: {  	s14 =	simm.s32 @p2 $0x0;
	p2 =	sgt.s32 s16, $0x3FFF  }
0x18: {  	s16 =	smov.u32 @p2 s2;
	p2 =	sne.s32 s11, s7  }
.Ltmp1:
0x19: {  	p1 =	slt.u32 s11, $0x2;
	(pc) =	sbr.rel @!p2 .LBB1_6-.Ltmp1, $4  }
0x1a: {  	s15 =	simm.s32 @!p1 $0x2  }
0x1b: {  	s13 =	smov.u32 s10;
	p0 =	por !p0, !p0;
	_ =	swait.ge @!p1 [sflag:s15], $0x1000  }
0x1c: {  	s12 =	smov.u32 s9;
	[sflag:s15] =	ssyncset.done @!p1 $0x0;
	s9 =	smov.u32 s14  }
0x1d: {  	s11 =	sadd.s32 $0x1, s11;
	[sflag:s15] =	ssyncadd.s32 @!p1 $0xFFFFF000;
	s10 =	smov.u32 s16  }
.LBB1_1:
0x1e: {  	p1 =	sge.u32 s11, s5  }
0x1f: {  	s14 =	sand.u32 @!p1 $0x1FFFFFF, s9  }
0x20: {  	s15 =	smulhi.u32 @!p1 $0x4924925, s14;
	_ =	sdelay $0x1  }
0x21: {  	s15 =	smul.u32 @!p1 $0x38, s15  }
0x22: {  	s16 =	sxor.u32 @!p1 $0xFFFFFFFF, s11;
	s17 =	smul.u32 @!p1 $0x380, s10  }
0x23: {  	s31 =	sadd.s32 $0xFFFFFFFF, s11;
	s16 =	sshll.u32 @!p1 s16, $0xC;
	s14 =	ssub.s32 @!p1 s14, s15  }
0x24: {  	s15 =	sand.u32 @!p1 $0x1000, s16;
	s16 =	sadd.s32 @!p1 s6, s17;
	s14 =	sshll.u32 @!p1 s14, $0x4  }
0x25: {  	s17 =	simm.s32 @!p1 $0x1C00;
	s14 =	sadd.s32 @!p1 s14, s16;
	s16 =	simm.s32 @!p1 $0x20  }
0x26: {  	[tilespmem:s15], [sflag:$0x1] =	stream.strided.gather @!p1 [hbm4b:s14+s16], $0x1000, s17, s16, $0x38;
	[tilespmem:$0x4040] =	vst v63  }
0x27: {  	p1 =	sge.u32 s31, s5  }
.Ltmp2:
0x28: {  	_ = 	snop;
	(pc) =	sbr.rel @p1 .LBB1_5-.Ltmp2, $1  }
0x29: {  	_ =	sdelay $0x3  }
0x2a: {  	s14 =	simm.s32 $0x1  }
0x2b: {  	_ =	swait.ge [sflag:s4], $0x1000;
	s14 =	simm.s32 @!p0 $0x0  }
0x2c: {  	[sflag:s4] =	ssyncset.done $0x0;
	s15 =	sshll.u32 s14, $0xC  }
0x2d: {  	[sflag:s4] =	ssyncadd.s32 $0xFFFFF000;
	s18 =	sor.u32 $0x10, s15  }
0x2e: {  	s14 =	smul.u32 $0x4080, s14;
	v1 =	vld [tilespmem:s18+$0x0]  }
0x2f: {  	s30 =	sand.u32 $0x1, s11;
	v0 =	vld [tilespmem:s18+$0xFFFFFFF0]  }
0x30: {  	s15 =	smul.u32 $0x4080, s30;
	s14 =	sshrl.u32 s14, $0x2  }
0x31: {  	s16 =	sor.u32 $0x2000, s14  }
0x32: {  	s31 =	sshrl.u32 s15, $0x2;
	s15 =	sadd.s32 $0x0, s16  }
0x33: {  	s17 =	simm.s32 $0x4;
	s18 =	sadd.s32 $0x20, s18;
	s14 =	sor.u32 $0x2000, s31;
	[tilespmem:s15+$0x810 ss:$0x81] =	vst.msk $0xffff, v1  }
.LBB1_3:
0x34: {  	v1 =	vld [tilespmem:s18+$0x0];
	p1 =	sne.s32 s17, $0x1FC;
	[tilespmem:s15+$0x0 ss:$0x81] =	vst.msk $0xffff, v0;
	s15 =	smov.u32 s17;
	s17 =	sadd.s32 $0x4, s17  }
.Ltmp3:
0x35: {  	v0 =	vld [tilespmem:s18+$0xFFFFFFF0];
	(pc) =	sbr.rel @p1 .LBB1_3-.Ltmp3, $4  }
0x36: {  	_ = 	snop  }
0x37: {  	s15 =	sshra.s32 s15, $0x2  }
0x38: {  	s15 =	sadd.s32 s15, s16  }
0x39: {  	s18 =	sadd.s32 $0x20, s18;
	[tilespmem:s15+$0x810 ss:$0x81] =	vst.msk $0xffff, v1  }
.Ltmp4:
0x3a: {  	_ = 	snop;
	(pc) =	sbr.rel .LBB1_4-.Ltmp4, $1  }
0x3b: {  	_ =	sdelay $0x3  }
.LBB1_6:
0x3c: {  	_ =	sfence.sel $0x180000  }
0x3d: {  	s2 =	simm.s32 $0x1;
	[bflag:$0x0] =	sbarrier.arrive $0xFFFF  }
0x3e: {  	s31 =	simm.s32 $0x2;
	[sflag:s2] =	ssyncpa.u1 $0x1  }
0x3f: {  	[sflag:s31] =	ssyncpa.u1 $0x1  }
0x40: {  	p0 =	sne.s32 s0, $0x0;
	_ =	strace $0x9000004A  }
0x41: {  	s0 =	sadd.s32 @!p0 $0x100000, s1;
	[bflag:$0x2] =	sbarrier.arrive $0xFFFF  }
0x42: {  	[sflag:s0] =	ssyncadd.tile.s32 @!p0 $0x1;
	_ =	shalt  }
.Lfunc_end1:
_tile_overlayer_lowered:
.L_overlay_start_2:
0x43: {  	(tag) =	ssettag $0x2  }
0x44: {  	s0 =	rddreg [dreg:$0x0];
	s2 =	stileid.u32  }
0x45: {  	s1 =	rddreg [dreg:$0x1];
	p0 =	sne.s32 s2, $0x0  }
0x46: {  	s3 =	rddreg [dreg:$0x2];
	[bflag:$0x3] =	sbarrier.arrive $0xFFFF;
	s2 =	simm.s32 @!p0 $0x1C01  }
0x47: {  	[timem:s3], [sflag:s2] =	dma.local @!p0 [hbm:s0], s1  }
0x48: {  	s0 =	simm.s32 @!p0 $0x1  }
0x49: {  	_ =	swait.ge @!p0 [sflag:s0], s1  }
0x4a: {  	s1 =	ssub.s32 @!p0 $0x0, s1;
	[sflag:s0] =	ssyncset.done @!p0 $0x0  }
0x4b: {  	[sflag:s0] =	ssyncadd.s32 @!p0 s1  }
0x4c: {  	[bflag:$0x3] =	sbarrier.arrive $0xFFFF  }
0x4d: {  	_ =	shalt  }

</sc_bundles>
